<compile_context>
chip_gen: v7x
topology: tpu7x:2x2x1
jax: 0.10.2.dev20260603
libtpu: 0.0.44.dev20260713+nightly
codegen_flags: <defaults>
</compile_context>

<pallas_src>
import functools

import jax
import jax.numpy as jnp
from jax import lax
from jax.experimental import pallas as pl
from jax.experimental.pallas import tpu as pltpu
from jax.experimental.pallas import tpu_sc as plsc

_NUM_CORES = 2
_NUM_SUBCORES = 16
_NUM_WORKERS = _NUM_CORES * _NUM_SUBCORES
_LANES = 16
_SUB = 8
_LANE_T = 128


@functools.cache
def _build(batch, vocab, dim):
  b_per_w = batch // _NUM_WORKERS
  n_lane_t = b_per_w // _LANE_T
  n_sub_t = dim // _SUB
  mesh = plsc.VectorSubcoreMesh(core_axis_name="c", subcore_axis_name="s")

  @functools.partial(
      pl.kernel,
      mesh=mesh,
      out_type=jax.ShapeDtypeStruct(
          (n_sub_t, batch // _LANE_T, _SUB, _LANE_T), jnp.float32
      ),
      scratch_types=[
          pltpu.VMEM((b_per_w,), jnp.int32),
          pltpu.VMEM((dim, vocab), jnp.float32),
          pltpu.VMEM((n_sub_t, n_lane_t, _SUB, _LANE_T), jnp.float32),
          pltpu.SemaphoreType.DMA,
          pltpu.SemaphoreType.DMA,
          pltpu.SemaphoreType.DMA,
      ],
      compiler_params=pltpu.CompilerParams(
          use_tc_tiling_on_sc=False, needs_layout_passes=False
      ),
  )
  def emb(tickers_hbm, table_t_hbm, out_hbm, idx_v, tab_v, tr_v,
          sem_in, sem_tab2, sem_out):
    wid = lax.axis_index("s") * _NUM_CORES + lax.axis_index("c")
    base = wid * b_per_w
    c_idx = pltpu.async_copy(
        tickers_hbm.at[pl.ds(base, b_per_w)], idx_v, sem_in
    )
    c_tab1 = pltpu.async_copy(
        table_t_hbm.at[pl.ds(0, _SUB)], tab_v.at[pl.ds(0, _SUB)], sem_in
    )
    c_tab2 = pltpu.async_copy(
        table_t_hbm.at[pl.ds(_SUB, _SUB)], tab_v.at[pl.ds(_SUB, _SUB)],
        sem_tab2,
    )
    c_idx.wait()
    c_tab1.wait()

    def gather_pass(r):
      d0 = r * _SUB

      @plsc.parallel_loop(0, b_per_w // _LANES, unroll=2)
      def lookup_group(g):
        j = g // (_LANE_T // _LANES)
        off = (g % (_LANE_T // _LANES)) * _LANES
        t16 = idx_v[pl.ds(g * _LANES, _LANES)]
        for dd in range(_SUB):
          vals = plsc.load_gather(
              tab_v, [jnp.full((_LANES,), d0 + dd, jnp.int32), t16]
          )
          tr_v[r, j, dd, pl.ds(off, _LANES)] = vals

    gather_pass(0)
    c_out0 = pltpu.async_copy(
        tr_v.at[0], out_hbm.at[0, pl.ds(wid * n_lane_t, n_lane_t)], sem_out
    )
    c_tab2.wait()
    gather_pass(1)
    pltpu.sync_copy(
        tr_v.at[1], out_hbm.at[1, pl.ds(wid * n_lane_t, n_lane_t)]
    )
    c_out0.wait()

  return emb


def kernel(tickers, table):
  batch = tickers.shape[0]
  vocab, dim = table.shape
  oh = _build(batch, vocab, dim)(tickers, table.T)
  out_t = oh.transpose(0, 2, 1, 3).reshape(dim, batch)
  return out_t.T

# --- scband reference (transcript-rebuilt; emitter-appended) ---
"""Pipeline reference for scband-ticker-embedding-66984309948578 (READ-ONLY COPY).

The authoritative reference and input builder live on the scoring server;
editing this copy changes nothing except your own understanding.
"""

import jax, jax.numpy as jnp
import numpy as np

VOCAB = 1000
EMBED_DIM = 16
BATCH = 16384


def setup_inputs(seed: int = 0) -> dict:
    key = jax.random.key(seed)
    k_idx, k_tab = jax.random.split(key)
    # 'tickers' are already mapped to integer ids (the original module maps
    # ticker strings -> indices via a python dict; the embedding lookup itself
    # only sees integer indices, which is what we model here).
    tickers = jax.random.randint(k_idx, (BATCH,), 0, VOCAB, dtype=jnp.int32)
    # learned parameter: embedding table, matches nn.Embedding default init N(0,1)
    table = jax.random.normal(k_tab, (VOCAB, EMBED_DIM), dtype=jnp.float32)
    return {"tickers": tickers, "table": table}


def reference(tickers, table):
    # ticker_emb = self.embedding(ticker_dict)
    return jnp.take(table, tickers, axis=0)

if __name__ == "__main__":
    import jax
    _d = setup_inputs()
    print(jax.jit(kernel)(*tuple(_d.values())))

</pallas_src>

<mosaic_0001>
#map = affine_map<(d0, d1) -> (0)>
#map1 = affine_map<(d0, d1) -> (0, 0)>
#map2 = affine_map<(d0, d1) -> (0, 0, 0, 0)>
module attributes {stable_mosaic.version = 14 : i64} {
  func.func @emb(%arg0: i32, %arg1: i32, %arg2: memref<16384xi32, #tpu.memory_space<hbm>>, %arg3: memref<16x1000xf32, #tpu.memory_space<hbm>>, %arg4: memref<2x128x8x128xf32, #tpu.memory_space<hbm>>, %arg5: memref<512xi32, #tpu.memory_space<vmem>>, %arg6: memref<16x1000xf32, #tpu.memory_space<vmem>>, %arg7: memref<2x4x8x128xf32, #tpu.memory_space<vmem>>, %arg8: memref<!tpu.dma_semaphore, #tpu.memory_space<semaphore_mem>>, %arg9: memref<!tpu.dma_semaphore, #tpu.memory_space<semaphore_mem>>, %arg10: memref<!tpu.dma_semaphore, #tpu.memory_space<semaphore_mem>>) attributes {dimension_semantics = [#tpu.dimension_semantics<core_parallel>, #tpu.dimension_semantics<subcore_parallel>], iteration_bounds = array<i64: 2, 16>, scalar_prefetch = 0 : i64, scratch_operands = 6 : i64, tpu.core_type = #tpu.core_type<sc_vector_subcore>, window_params = [{transform_indices = #map}, {transform_indices = #map1}, {transform_indices = #map2}]} {
    %mul3A = arith.constant 2 : i32
    %mul3A_0 = arith.muli %arg1, %mul3A : i32
    %add3A = arith.addi %mul3A_0, %arg0 : i32
    %mul3A_1 = arith.constant 512 : i32
    %mul3A_2 = arith.muli %add3A, %mul3A_1 : i32
    %dma_start3A = tpu.memref_slice %arg2[%mul3A_2] : memref<16384xi32, #tpu.memory_space<hbm>> -> memref<512xi32, #tpu.memory_space<hbm>>
    %dma_start3A_3 = tpu.memref_slice %arg2[%mul3A_2] : memref<16384xi32, #tpu.memory_space<hbm>> -> memref<512xi32, #tpu.memory_space<hbm>>
    tpu.enqueue_dma source(%dma_start3A_3 : memref<512xi32, #tpu.memory_space<hbm>>) target(%arg5 : memref<512xi32, #tpu.memory_space<vmem>>) target_semaphore(%arg8 : memref<!tpu.dma_semaphore, #tpu.memory_space<semaphore_mem>>)
    %dma_start3A_4 = arith.constant 0 : i32
    %dma_start3A_5 = arith.constant 0 : i32
    %dma_start3A_6 = tpu.memref_slice %arg6[%dma_start3A_4, %dma_start3A_5] : memref<16x1000xf32, #tpu.memory_space<vmem>> -> memref<8x1000xf32, #tpu.memory_space<vmem>>
    %dma_start3A_7 = arith.constant 0 : i32
    %dma_start3A_8 = arith.constant 0 : i32
    %dma_start3A_9 = tpu.memref_slice %arg3[%dma_start3A_7, %dma_start3A_8] : memref<16x1000xf32, #tpu.memory_space<hbm>> -> memref<8x1000xf32, #tpu.memory_space<hbm>>
    %dma_start3A_10 = arith.constant 0 : i32
    %dma_start3A_11 = arith.constant 0 : i32
    %dma_start3A_12 = tpu.memref_slice %arg6[%dma_start3A_10, %dma_start3A_11] : memref<16x1000xf32, #tpu.memory_space<vmem>> -> memref<8x1000xf32, #tpu.memory_space<vmem>>
    %dma_start3A_13 = arith.constant 0 : i32
    %dma_start3A_14 = arith.constant 0 : i32
    %dma_start3A_15 = tpu.memref_slice %arg3[%dma_start3A_13, %dma_start3A_14] : memref<16x1000xf32, #tpu.memory_space<hbm>> -> memref<8x1000xf32, #tpu.memory_space<hbm>>
    tpu.enqueue_dma source(%dma_start3A_15 : memref<8x1000xf32, #tpu.memory_space<hbm>>) target(%dma_start3A_12 : memref<8x1000xf32, #tpu.memory_space<vmem>>) target_semaphore(%arg8 : memref<!tpu.dma_semaphore, #tpu.memory_space<semaphore_mem>>)
    %dma_start3A_16 = arith.constant 8 : i32
    %dma_start3A_17 = arith.constant 0 : i32
    %dma_start3A_18 = tpu.memref_slice %arg6[%dma_start3A_16, %dma_start3A_17] : memref<16x1000xf32, #tpu.memory_space<vmem>> -> memref<8x1000xf32, #tpu.memory_space<vmem>>
    %dma_start3A_19 = arith.constant 8 : i32
    %dma_start3A_20 = arith.constant 0 : i32
    %dma_start3A_21 = tpu.memref_slice %arg3[%dma_start3A_19, %dma_start3A_20] : memref<16x1000xf32, #tpu.memory_space<hbm>> -> memref<8x1000xf32, #tpu.memory_space<hbm>>
    %dma_start3A_22 = arith.constant 8 : i32
    %dma_start3A_23 = arith.constant 0 : i32
    %dma_start3A_24 = tpu.memref_slice %arg6[%dma_start3A_22, %dma_start3A_23] : memref<16x1000xf32, #tpu.memory_space<vmem>> -> memref<8x1000xf32, #tpu.memory_space<vmem>>
    %dma_start3A_25 = arith.constant 8 : i32
    %dma_start3A_26 = arith.constant 0 : i32
    %dma_start3A_27 = tpu.memref_slice %arg3[%dma_start3A_25, %dma_start3A_26] : memref<16x1000xf32, #tpu.memory_space<hbm>> -> memref<8x1000xf32, #tpu.memory_space<hbm>>
    tpu.enqueue_dma source(%dma_start3A_27 : memref<8x1000xf32, #tpu.memory_space<hbm>>) target(%dma_start3A_24 : memref<8x1000xf32, #tpu.memory_space<vmem>>) target_semaphore(%arg9 : memref<!tpu.dma_semaphore, #tpu.memory_space<semaphore_mem>>)
    %dma_wait3A = tpu.memref_slice %arg2[%mul3A_2] : memref<16384xi32, #tpu.memory_space<hbm>> -> memref<512xi32, #tpu.memory_space<hbm>>
    %dma_wait3A_28 = tpu.memref_slice %arg2[%mul3A_2] : memref<16384xi32, #tpu.memory_space<hbm>> -> memref<512xi32, #tpu.memory_space<hbm>>
    tpu.wait_dma2 semaphore(%arg8 : memref<!tpu.dma_semaphore, #tpu.memory_space<semaphore_mem>>) src(%dma_wait3A_28 : memref<512xi32, #tpu.memory_space<hbm>>) dst(%arg5 : memref<512xi32, #tpu.memory_space<vmem>>)
    %dma_wait3A_29 = arith.constant 0 : i32
    %dma_wait3A_30 = arith.constant 0 : i32
    %dma_wait3A_31 = tpu.memref_slice %arg6[%dma_wait3A_29, %dma_wait3A_30] : memref<16x1000xf32, #tpu.memory_space<vmem>> -> memref<8x1000xf32, #tpu.memory_space<vmem>>
    %dma_wait3A_32 = arith.constant 0 : i32
    %dma_wait3A_33 = arith.constant 0 : i32
    %dma_wait3A_34 = tpu.memref_slice %arg3[%dma_wait3A_32, %dma_wait3A_33] : memref<16x1000xf32, #tpu.memory_space<hbm>> -> memref<8x1000xf32, #tpu.memory_space<hbm>>
    %dma_wait3A_35 = arith.constant 0 : i32
    %dma_wait3A_36 = arith.constant 0 : i32
    %dma_wait3A_37 = tpu.memref_slice %arg6[%dma_wait3A_35, %dma_wait3A_36] : memref<16x1000xf32, #tpu.memory_space<vmem>> -> memref<8x1000xf32, #tpu.memory_space<vmem>>
    %dma_wait3A_38 = arith.constant 0 : i32
    %dma_wait3A_39 = arith.constant 0 : i32
    %dma_wait3A_40 = tpu.memref_slice %arg3[%dma_wait3A_38, %dma_wait3A_39] : memref<16x1000xf32, #tpu.memory_space<hbm>> -> memref<8x1000xf32, #tpu.memory_space<hbm>>
    tpu.wait_dma2 semaphore(%arg8 : memref<!tpu.dma_semaphore, #tpu.memory_space<semaphore_mem>>) src(%dma_wait3A_40 : memref<8x1000xf32, #tpu.memory_space<hbm>>) dst(%dma_wait3A_37 : memref<8x1000xf32, #tpu.memory_space<vmem>>)
    %parallel_loop3A = arith.constant 0 : i32
    %parallel_loop3A_41 = arith.constant 32 : i32
    %parallel_loop3A_42 = arith.constant 1 : i32
    scf.for %parallel_loop3A_103 = %parallel_loop3A to %parallel_loop3A_41 step %parallel_loop3A_42  : i32 {
      %parallel_loop3A_104 = arith.constant 8 : i32
      %parallel_loop3A_105 = arith.divsi %parallel_loop3A_103, %parallel_loop3A_104 : i32
      %parallel_loop3A_106 = arith.constant 0 : i32
      %parallel_loop3A_107 = arith.cmpi sgt, %parallel_loop3A_103, %parallel_loop3A_106 : i32
      %parallel_loop3A_108 = arith.extui %parallel_loop3A_107 : i1 to i32
      %parallel_loop3A_109 = arith.constant 0 : i32
      %parallel_loop3A_110 = arith.cmpi slt, %parallel_loop3A_103, %parallel_loop3A_109 : i32
      %parallel_loop3A_111 = arith.extui %parallel_loop3A_110 : i1 to i32
      %parallel_loop3A_112 = arith.subi %parallel_loop3A_108, %parallel_loop3A_111 : i32
      %parallel_loop3A_113 = arith.constant 0 : i32
      %parallel_loop3A_114 = arith.cmpi sgt, %parallel_loop3A_104, %parallel_loop3A_113 : i32
      %parallel_loop3A_115 = arith.extui %parallel_loop3A_114 : i1 to i32
      %parallel_loop3A_116 = arith.constant 0 : i32
      %parallel_loop3A_117 = arith.cmpi slt, %parallel_loop3A_104, %parallel_loop3A_116 : i32
      %parallel_loop3A_118 = arith.extui %parallel_loop3A_117 : i1 to i32
      %parallel_loop3A_119 = arith.subi %parallel_loop3A_115, %parallel_loop3A_118 : i32
      %parallel_loop3A_120 = arith.cmpi ne, %parallel_loop3A_112, %parallel_loop3A_119 : i32
      %parallel_loop3A_121 = arith.remsi %parallel_loop3A_103, %parallel_loop3A_104 : i32
      %parallel_loop3A_122 = arith.constant 0 : i32
      %parallel_loop3A_123 = arith.cmpi ne, %parallel_loop3A_121, %parallel_loop3A_122 : i32
      %parallel_loop3A_124 = arith.andi %parallel_loop3A_120, %parallel_loop3A_123 : i1
      %parallel_loop3A_125 = arith.constant 1 : i32
      %parallel_loop3A_126 = arith.subi %parallel_loop3A_105, %parallel_loop3A_125 : i32
      %parallel_loop3A_127 = arith.select %parallel_loop3A_124, %parallel_loop3A_126, %parallel_loop3A_105 : i32
      %parallel_loop3A_128 = arith.constant 8 : i32
      %parallel_loop3A_129 = arith.constant 0 : i32
      %parallel_loop3A_130 = arith.cmpi eq, %parallel_loop3A_128, %parallel_loop3A_129 : i32
      %parallel_loop3A_131 = arith.constant 1 : i32
      %parallel_loop3A_132 = arith.select %parallel_loop3A_130, %parallel_loop3A_131, %parallel_loop3A_128 : i32
      %parallel_loop3A_133 = arith.remsi %parallel_loop3A_103, %parallel_loop3A_132 : i32
      %parallel_loop3A_134 = arith.constant 0 : i32
      %parallel_loop3A_135 = arith.cmpi ne, %parallel_loop3A_133, %parallel_loop3A_134 : i32
      %parallel_loop3A_136 = arith.constant 0 : i32
      %parallel_loop3A_137 = arith.cmpi slt, %parallel_loop3A_133, %parallel_loop3A_136 : i32
      %parallel_loop3A_138 = arith.constant 0 : i32
      %parallel_loop3A_139 = arith.cmpi slt, %parallel_loop3A_132, %parallel_loop3A_138 : i32
      %parallel_loop3A_140 = arith.xori %parallel_loop3A_137, %parallel_loop3A_139 : i1
      %parallel_loop3A_141 = arith.andi %parallel_loop3A_140, %parallel_loop3A_135 : i1
      %parallel_loop3A_142 = arith.addi %parallel_loop3A_133, %parallel_loop3A_132 : i32
      %parallel_loop3A_143 = arith.select %parallel_loop3A_141, %parallel_loop3A_142, %parallel_loop3A_133 : i32
      %parallel_loop3A_144 = arith.constant 16 : i32
      %parallel_loop3A_145 = arith.muli %parallel_loop3A_143, %parallel_loop3A_144 : i32
      %parallel_loop3A_146 = arith.constant 16 : i32
      %parallel_loop3A_147 = arith.muli %parallel_loop3A_103, %parallel_loop3A_146 : i32
      %parallel_loop3A_148 = arith.index_cast %parallel_loop3A_147 : i32 to index
      %parallel_loop3A_149 = tpu.vector_load %arg5[%parallel_loop3A_148] {strides = array<i32>} : memref<512xi32, #tpu.memory_space<vmem>>, vector<16xi32>,
      %parallel_loop3A_150 = arith.constant 0 : i32
      %parallel_loop3A_151 = vector.broadcast %parallel_loop3A_150 : i32 to vector<16xi32>
      %parallel_loop3A_152 = tpu.vector_load_idx %arg6[%parallel_loop3A_151, %parallel_loop3A_149] : memref<16x1000xf32, #tpu.memory_space<vmem>>[vector<16xi32>, vector<16xi32>], vector<16xf32>,
      %parallel_loop3A_153 = arith.constant 0 : i32
      %parallel_loop3A_154 = arith.constant 0 : i32
      %parallel_loop3A_155 = arith.index_cast %parallel_loop3A_153 : i32 to index
      %parallel_loop3A_156 = arith.index_cast %parallel_loop3A_127 : i32 to index
      %parallel_loop3A_157 = arith.index_cast %parallel_loop3A_154 : i32 to index
      %parallel_loop3A_158 = arith.index_cast %parallel_loop3A_145 : i32 to index
      %parallel_loop3A_159 = tpu.vector_load %arg7[%parallel_loop3A_155, %parallel_loop3A_156, %parallel_loop3A_157, %parallel_loop3A_158] {strides = array<i32>} : memref<2x4x8x128xf32, #tpu.memory_space<vmem>>, vector<16xf32>,
      tpu.vector_store %arg7[%parallel_loop3A_155, %parallel_loop3A_156, %parallel_loop3A_157, %parallel_loop3A_158], %parallel_loop3A_152 {strides = array<i32>} : memref<2x4x8x128xf32, #tpu.memory_space<vmem>>, vector<16xf32>,
      %parallel_loop3A_160 = arith.constant 1 : i32
      %parallel_loop3A_161 = vector.broadcast %parallel_loop3A_160 : i32 to vector<16xi32>
      %parallel_loop3A_162 = tpu.vector_load_idx %arg6[%parallel_loop3A_161, %parallel_loop3A_149] : memref<16x1000xf32, #tpu.memory_space<vmem>>[vector<16xi32>, vector<16xi32>], vector<16xf32>,
      %parallel_loop3A_163 = arith.constant 0 : i32
      %parallel_loop3A_164 = arith.constant 1 : i32
      %parallel_loop3A_165 = arith.index_cast %parallel_loop3A_163 : i32 to index
      %parallel_loop3A_166 = arith.index_cast %parallel_loop3A_127 : i32 to index
      %parallel_loop3A_167 = arith.index_cast %parallel_loop3A_164 : i32 to index
      %parallel_loop3A_168 = arith.index_cast %parallel_loop3A_145 : i32 to index
      %parallel_loop3A_169 = tpu.vector_load %arg7[%parallel_loop3A_165, %parallel_loop3A_166, %parallel_loop3A_167, %parallel_loop3A_168] {strides = array<i32>} : memref<2x4x8x128xf32, #tpu.memory_space<vmem>>, vector<16xf32>,
      tpu.vector_store %arg7[%parallel_loop3A_165, %parallel_loop3A_166, %parallel_loop3A_167, %parallel_loop3A_168], %parallel_loop3A_162 {strides = array<i32>} : memref<2x4x8x128xf32, #tpu.memory_space<vmem>>, vector<16xf32>,
      %parallel_loop3A_170 = arith.constant 2 : i32
      %parallel_loop3A_171 = vector.broadcast %parallel_loop3A_170 : i32 to vector<16xi32>
      %parallel_loop3A_172 = tpu.vector_load_idx %arg6[%parallel_loop3A_171, %parallel_loop3A_149] : memref<16x1000xf32, #tpu.memory_space<vmem>>[vector<16xi32>, vector<16xi32>], vector<16xf32>,
      %parallel_loop3A_173 = arith.constant 0 : i32
      %parallel_loop3A_174 = arith.constant 2 : i32
      %parallel_loop3A_175 = arith.index_cast %parallel_loop3A_173 : i32 to index
      %parallel_loop3A_176 = arith.index_cast %parallel_loop3A_127 : i32 to index
      %parallel_loop3A_177 = arith.index_cast %parallel_loop3A_174 : i32 to index
      %parallel_loop3A_178 = arith.index_cast %parallel_loop3A_145 : i32 to index
      %parallel_loop3A_179 = tpu.vector_load %arg7[%parallel_loop3A_175, %parallel_loop3A_176, %parallel_loop3A_177, %parallel_loop3A_178] {strides = array<i32>} : memref<2x4x8x128xf32, #tpu.memory_space<vmem>>, vector<16xf32>,
      tpu.vector_store %arg7[%parallel_loop3A_175, %parallel_loop3A_176, %parallel_loop3A_177, %parallel_loop3A_178], %parallel_loop3A_172 {strides = array<i32>} : memref<2x4x8x128xf32, #tpu.memory_space<vmem>>, vector<16xf32>,
      %parallel_loop3A_180 = arith.constant 3 : i32
      %parallel_loop3A_181 = vector.broadcast %parallel_loop3A_180 : i32 to vector<16xi32>
      %parallel_loop3A_182 = tpu.vector_load_idx %arg6[%parallel_loop3A_181, %parallel_loop3A_149] : memref<16x1000xf32, #tpu.memory_space<vmem>>[vector<16xi32>, vector<16xi32>], vector<16xf32>,
      %parallel_loop3A_183 = arith.constant 0 : i32
      %parallel_loop3A_184 = arith.constant 3 : i32
      %parallel_loop3A_185 = arith.index_cast %parallel_loop3A_183 : i32 to index
      %parallel_loop3A_186 = arith.index_cast %parallel_loop3A_127 : i32 to index
      %parallel_loop3A_187 = arith.index_cast %parallel_loop3A_184 : i32 to index
      %parallel_loop3A_188 = arith.index_cast %parallel_loop3A_145 : i32 to index
      %parallel_loop3A_189 = tpu.vector_load %arg7[%parallel_loop3A_185, %parallel_loop3A_186, %parallel_loop3A_187, %parallel_loop3A_188] {strides = array<i32>} : memref<2x4x8x128xf32, #tpu.memory_space<vmem>>, vector<16xf32>,
      tpu.vector_store %arg7[%parallel_loop3A_185, %parallel_loop3A_186, %parallel_loop3A_187, %parallel_loop3A_188], %parallel_loop3A_182 {strides = array<i32>} : memref<2x4x8x128xf32, #tpu.memory_space<vmem>>, vector<16xf32>,
      %parallel_loop3A_190 = arith.constant 4 : i32
      %parallel_loop3A_191 = vector.broadcast %parallel_loop3A_190 : i32 to vector<16xi32>
      %parallel_loop3A_192 = tpu.vector_load_idx %arg6[%parallel_loop3A_191, %parallel_loop3A_149] : memref<16x1000xf32, #tpu.memory_space<vmem>>[vector<16xi32>, vector<16xi32>], vector<16xf32>,
      %parallel_loop3A_193 = arith.constant 0 : i32
      %parallel_loop3A_194 = arith.constant 4 : i32
      %parallel_loop3A_195 = arith.index_cast %parallel_loop3A_193 : i32 to index
      %parallel_loop3A_196 = arith.index_cast %parallel_loop3A_127 : i32 to index
      %parallel_loop3A_197 = arith.index_cast %parallel_loop3A_194 : i32 to index
      %parallel_loop3A_198 = arith.index_cast %parallel_loop3A_145 : i32 to index
      %parallel_loop3A_199 = tpu.vector_load %arg7[%parallel_loop3A_195, %parallel_loop3A_196, %parallel_loop3A_197, %parallel_loop3A_198] {strides = array<i32>} : memref<2x4x8x128xf32, #tpu.memory_space<vmem>>, vector<16xf32>,
      tpu.vector_store %arg7[%parallel_loop3A_195, %parallel_loop3A_196, %parallel_loop3A_197, %parallel_loop3A_198], %parallel_loop3A_192 {strides = array<i32>} : memref<2x4x8x128xf32, #tpu.memory_space<vmem>>, vector<16xf32>,
      %parallel_loop3A_200 = arith.constant 5 : i32
      %parallel_loop3A_201 = vector.broadcast %parallel_loop3A_200 : i32 to vector<16xi32>
      %parallel_loop3A_202 = tpu.vector_load_idx %arg6[%parallel_loop3A_201, %parallel_loop3A_149] : memref<16x1000xf32, #tpu.memory_space<vmem>>[vector<16xi32>, vector<16xi32>], vector<16xf32>,
      %parallel_loop3A_203 = arith.constant 0 : i32
      %parallel_loop3A_204 = arith.constant 5 : i32
      %parallel_loop3A_205 = arith.index_cast %parallel_loop3A_203 : i32 to index
      %parallel_loop3A_206 = arith.index_cast %parallel_loop3A_127 : i32 to index
      %parallel_loop3A_207 = arith.index_cast %parallel_loop3A_204 : i32 to index
      %parallel_loop3A_208 = arith.index_cast %parallel_loop3A_145 : i32 to index
      %parallel_loop3A_209 = tpu.vector_load %arg7[%parallel_loop3A_205, %parallel_loop3A_206, %parallel_loop3A_207, %parallel_loop3A_208] {strides = array<i32>} : memref<2x4x8x128xf32, #tpu.memory_space<vmem>>, vector<16xf32>,
      tpu.vector_store %arg7[%parallel_loop3A_205, %parallel_loop3A_206, %parallel_loop3A_207, %parallel_loop3A_208], %parallel_loop3A_202 {strides = array<i32>} : memref<2x4x8x128xf32, #tpu.memory_space<vmem>>, vector<16xf32>,
      %parallel_loop3A_210 = arith.constant 6 : i32
      %parallel_loop3A_211 = vector.broadcast %parallel_loop3A_210 : i32 to vector<16xi32>
      %parallel_loop3A_212 = tpu.vector_load_idx %arg6[%parallel_loop3A_211, %parallel_loop3A_149] : memref<16x1000xf32, #tpu.memory_space<vmem>>[vector<16xi32>, vector<16xi32>], vector<16xf32>,
      %parallel_loop3A_213 = arith.constant 0 : i32
      %parallel_loop3A_214 = arith.constant 6 : i32
      %parallel_loop3A_215 = arith.index_cast %parallel_loop3A_213 : i32 to index
      %parallel_loop3A_216 = arith.index_cast %parallel_loop3A_127 : i32 to index
      %parallel_loop3A_217 = arith.index_cast %parallel_loop3A_214 : i32 to index
      %parallel_loop3A_218 = arith.index_cast %parallel_loop3A_145 : i32 to index
      %parallel_loop3A_219 = tpu.vector_load %arg7[%parallel_loop3A_215, %parallel_loop3A_216, %parallel_loop3A_217, %parallel_loop3A_218] {strides = array<i32>} : memref<2x4x8x128xf32, #tpu.memory_space<vmem>>, vector<16xf32>,
      tpu.vector_store %arg7[%parallel_loop3A_215, %parallel_loop3A_216, %parallel_loop3A_217, %parallel_loop3A_218], %parallel_loop3A_212 {strides = array<i32>} : memref<2x4x8x128xf32, #tpu.memory_space<vmem>>, vector<16xf32>,
      %parallel_loop3A_220 = arith.constant 7 : i32
      %parallel_loop3A_221 = vector.broadcast %parallel_loop3A_220 : i32 to vector<16xi32>
      %parallel_loop3A_222 = tpu.vector_load_idx %arg6[%parallel_loop3A_221, %parallel_loop3A_149] : memref<16x1000xf32, #tpu.memory_space<vmem>>[vector<16xi32>, vector<16xi32>], vector<16xf32>,
      %parallel_loop3A_223 = arith.constant 0 : i32
      %parallel_loop3A_224 = arith.constant 7 : i32
      %parallel_loop3A_225 = arith.index_cast %parallel_loop3A_223 : i32 to index
      %parallel_loop3A_226 = arith.index_cast %parallel_loop3A_127 : i32 to index
      %parallel_loop3A_227 = arith.index_cast %parallel_loop3A_224 : i32 to index
      %parallel_loop3A_228 = arith.index_cast %parallel_loop3A_145 : i32 to index
      %parallel_loop3A_229 = tpu.vector_load %arg7[%parallel_loop3A_225, %parallel_loop3A_226, %parallel_loop3A_227, %parallel_loop3A_228] {strides = array<i32>} : memref<2x4x8x128xf32, #tpu.memory_space<vmem>>, vector<16xf32>,
      tpu.vector_store %arg7[%parallel_loop3A_225, %parallel_loop3A_226, %parallel_loop3A_227, %parallel_loop3A_228], %parallel_loop3A_222 {strides = array<i32>} : memref<2x4x8x128xf32, #tpu.memory_space<vmem>>, vector<16xf32>,
    } {sc.loop_unroll_factor = 2 : i64, sc.parallel_access}
    %mul3A_43 = arith.constant 4 : i32
    %mul3A_44 = arith.muli %add3A, %mul3A_43 : i32
    %dma_start3A_45 = arith.constant 0 : i32
    %dma_start3A_46 = arith.constant 0 : i32
    %dma_start3A_47 = arith.constant 0 : i32
    %dma_start3A_48 = arith.constant 0 : i32
    %dma_start3A_49 = arith.constant 0 : i32
    %dma_start3A_50 = tpu.memref_slice %arg7[%dma_start3A_45, %dma_start3A_47, %dma_start3A_48, %dma_start3A_49] : memref<2x4x8x128xf32, #tpu.memory_space<vmem>> -> memref<1x4x8x128xf32, #tpu.memory_space<vmem>>
    %dma_start3A_51 = tpu.memref_squeeze %dma_start3A_50 : memref<1x4x8x128xf32, #tpu.memory_space<vmem>> -> memref<4x8x128xf32, #tpu.memory_space<vmem>>
    %dma_start3A_52 = arith.constant 0 : i32
    %dma_start3A_53 = arith.constant 0 : i32
    %dma_start3A_54 = tpu.memref_slice %arg4[%dma_start3A_46, %mul3A_44, %dma_start3A_52, %dma_start3A_53] : memref<2x128x8x128xf32, #tpu.memory_space<hbm>> -> memref<1x4x8x128xf32, #tpu.memory_space<hbm>>
    %dma_start3A_55 = tpu.memref_squeeze %dma_start3A_54 : memref<1x4x8x128xf32, #tpu.memory_space<hbm>> -> memref<4x8x128xf32, #tpu.memory_space<hbm>>
    %dma_start3A_56 = arith.constant 0 : i32
    %dma_start3A_57 = arith.constant 0 : i32
    %dma_start3A_58 = tpu.memref_slice %arg4[%dma_start3A_46, %mul3A_44, %dma_start3A_56, %dma_start3A_57] : memref<2x128x8x128xf32, #tpu.memory_space<hbm>> -> memref<1x4x8x128xf32, #tpu.memory_space<hbm>>
    %dma_start3A_59 = tpu.memref_squeeze %dma_start3A_58 : memref<1x4x8x128xf32, #tpu.memory_space<hbm>> -> memref<4x8x128xf32, #tpu.memory_space<hbm>>
    %dma_start3A_60 = arith.constant 0 : i32
    %dma_start3A_61 = arith.constant 0 : i32
    %dma_start3A_62 = arith.constant 0 : i32
    %dma_start3A_63 = tpu.memref_slice %arg7[%dma_start3A_45, %dma_start3A_60, %dma_start3A_61, %dma_start3A_62] : memref<2x4x8x128xf32, #tpu.memory_space<vmem>> -> memref<1x4x8x128xf32, #tpu.memory_space<vmem>>
    %dma_start3A_64 = tpu.memref_squeeze %dma_start3A_63 : memref<1x4x8x128xf32, #tpu.memory_space<vmem>> -> memref<4x8x128xf32, #tpu.memory_space<vmem>>
    tpu.enqueue_dma source(%dma_start3A_64 : memref<4x8x128xf32, #tpu.memory_space<vmem>>) target(%dma_start3A_59 : memref<4x8x128xf32, #tpu.memory_space<hbm>>) target_semaphore(%arg10 : memref<!tpu.dma_semaphore, #tpu.memory_space<semaphore_mem>>)
    %dma_wait3A_65 = arith.constant 8 : i32
    %dma_wait3A_66 = arith.constant 0 : i32
    %dma_wait3A_67 = tpu.memref_slice %arg6[%dma_wait3A_65, %dma_wait3A_66] : memref<16x1000xf32, #tpu.memory_space<vmem>> -> memref<8x1000xf32, #tpu.memory_space<vmem>>
    %dma_wait3A_68 = arith.constant 8 : i32
    %dma_wait3A_69 = arith.constant 0 : i32
    %dma_wait3A_70 = tpu.memref_slice %arg3[%dma_wait3A_68, %dma_wait3A_69] : memref<16x1000xf32, #tpu.memory_space<hbm>> -> memref<8x1000xf32, #tpu.memory_space<hbm>>
    %dma_wait3A_71 = arith.constant 8 : i32
    %dma_wait3A_72 = arith.constant 0 : i32
    %dma_wait3A_73 = tpu.memref_slice %arg6[%dma_wait3A_71, %dma_wait3A_72] : memref<16x1000xf32, #tpu.memory_space<vmem>> -> memref<8x1000xf32, #tpu.memory_space<vmem>>
    %dma_wait3A_74 = arith.constant 8 : i32
    %dma_wait3A_75 = arith.constant 0 : i32
    %dma_wait3A_76 = tpu.memref_slice %arg3[%dma_wait3A_74, %dma_wait3A_75] : memref<16x1000xf32, #tpu.memory_space<hbm>> -> memref<8x1000xf32, #tpu.memory_space<hbm>>
    tpu.wait_dma2 semaphore(%arg9 : memref<!tpu.dma_semaphore, #tpu.memory_space<semaphore_mem>>) src(%dma_wait3A_76 : memref<8x1000xf32, #tpu.memory_space<hbm>>) dst(%dma_wait3A_73 : memref<8x1000xf32, #tpu.memory_space<vmem>>)
    %parallel_loop3A_77 = arith.constant 0 : i32
    %parallel_loop3A_78 = arith.constant 32 : i32
    %parallel_loop3A_79 = arith.constant 1 : i32
    scf.for %parallel_loop3A_103 = %parallel_loop3A_77 to %parallel_loop3A_78 step %parallel_loop3A_79  : i32 {
      %parallel_loop3A_104 = arith.constant 8 : i32
      %parallel_loop3A_105 = arith.divsi %parallel_loop3A_103, %parallel_loop3A_104 : i32
      %parallel_loop3A_106 = arith.constant 0 : i32
      %parallel_loop3A_107 = arith.cmpi sgt, %parallel_loop3A_103, %parallel_loop3A_106 : i32
      %parallel_loop3A_108 = arith.extui %parallel_loop3A_107 : i1 to i32
      %parallel_loop3A_109 = arith.constant 0 : i32
      %parallel_loop3A_110 = arith.cmpi slt, %parallel_loop3A_103, %parallel_loop3A_109 : i32
      %parallel_loop3A_111 = arith.extui %parallel_loop3A_110 : i1 to i32
      %parallel_loop3A_112 = arith.subi %parallel_loop3A_108, %parallel_loop3A_111 : i32
      %parallel_loop3A_113 = arith.constant 0 : i32
      %parallel_loop3A_114 = arith.cmpi sgt, %parallel_loop3A_104, %parallel_loop3A_113 : i32
      %parallel_loop3A_115 = arith.extui %parallel_loop3A_114 : i1 to i32
      %parallel_loop3A_116 = arith.constant 0 : i32
      %parallel_loop3A_117 = arith.cmpi slt, %parallel_loop3A_104, %parallel_loop3A_116 : i32
      %parallel_loop3A_118 = arith.extui %parallel_loop3A_117 : i1 to i32
      %parallel_loop3A_119 = arith.subi %parallel_loop3A_115, %parallel_loop3A_118 : i32
      %parallel_loop3A_120 = arith.cmpi ne, %parallel_loop3A_112, %parallel_loop3A_119 : i32
      %parallel_loop3A_121 = arith.remsi %parallel_loop3A_103, %parallel_loop3A_104 : i32
      %parallel_loop3A_122 = arith.constant 0 : i32
      %parallel_loop3A_123 = arith.cmpi ne, %parallel_loop3A_121, %parallel_loop3A_122 : i32
      %parallel_loop3A_124 = arith.andi %parallel_loop3A_120, %parallel_loop3A_123 : i1
      %parallel_loop3A_125 = arith.constant 1 : i32
      %parallel_loop3A_126 = arith.subi %parallel_loop3A_105, %parallel_loop3A_125 : i32
      %parallel_loop3A_127 = arith.select %parallel_loop3A_124, %parallel_loop3A_126, %parallel_loop3A_105 : i32
      %parallel_loop3A_128 = arith.constant 8 : i32
      %parallel_loop3A_129 = arith.constant 0 : i32
      %parallel_loop3A_130 = arith.cmpi eq, %parallel_loop3A_128, %parallel_loop3A_129 : i32
      %parallel_loop3A_131 = arith.constant 1 : i32
      %parallel_loop3A_132 = arith.select %parallel_loop3A_130, %parallel_loop3A_131, %parallel_loop3A_128 : i32
      %parallel_loop3A_133 = arith.remsi %parallel_loop3A_103, %parallel_loop3A_132 : i32
      %parallel_loop3A_134 = arith.constant 0 : i32
      %parallel_loop3A_135 = arith.cmpi ne, %parallel_loop3A_133, %parallel_loop3A_134 : i32
      %parallel_loop3A_136 = arith.constant 0 : i32
      %parallel_loop3A_137 = arith.cmpi slt, %parallel_loop3A_133, %parallel_loop3A_136 : i32
      %parallel_loop3A_138 = arith.constant 0 : i32
      %parallel_loop3A_139 = arith.cmpi slt, %parallel_loop3A_132, %parallel_loop3A_138 : i32
      %parallel_loop3A_140 = arith.xori %parallel_loop3A_137, %parallel_loop3A_139 : i1
      %parallel_loop3A_141 = arith.andi %parallel_loop3A_140, %parallel_loop3A_135 : i1
      %parallel_loop3A_142 = arith.addi %parallel_loop3A_133, %parallel_loop3A_132 : i32
      %parallel_loop3A_143 = arith.select %parallel_loop3A_141, %parallel_loop3A_142, %parallel_loop3A_133 : i32
      %parallel_loop3A_144 = arith.constant 16 : i32
      %parallel_loop3A_145 = arith.muli %parallel_loop3A_143, %parallel_loop3A_144 : i32
      %parallel_loop3A_146 = arith.constant 16 : i32
      %parallel_loop3A_147 = arith.muli %parallel_loop3A_103, %parallel_loop3A_146 : i32
      %parallel_loop3A_148 = arith.index_cast %parallel_loop3A_147 : i32 to index
      %parallel_loop3A_149 = tpu.vector_load %arg5[%parallel_loop3A_148] {strides = array<i32>} : memref<512xi32, #tpu.memory_space<vmem>>, vector<16xi32>,
      %parallel_loop3A_150 = arith.constant 8 : i32
      %parallel_loop3A_151 = vector.broadcast %parallel_loop3A_150 : i32 to vector<16xi32>
      %parallel_loop3A_152 = tpu.vector_load_idx %arg6[%parallel_loop3A_151, %parallel_loop3A_149] : memref<16x1000xf32, #tpu.memory_space<vmem>>[vector<16xi32>, vector<16xi32>], vector<16xf32>,
      %parallel_loop3A_153 = arith.constant 1 : i32
      %parallel_loop3A_154 = arith.constant 0 : i32
      %parallel_loop3A_155 = arith.index_cast %parallel_loop3A_153 : i32 to index
      %parallel_loop3A_156 = arith.index_cast %parallel_loop3A_127 : i32 to index
      %parallel_loop3A_157 = arith.index_cast %parallel_loop3A_154 : i32 to index
      %parallel_loop3A_158 = arith.index_cast %parallel_loop3A_145 : i32 to index
      %parallel_loop3A_159 = tpu.vector_load %arg7[%parallel_loop3A_155, %parallel_loop3A_156, %parallel_loop3A_157, %parallel_loop3A_158] {strides = array<i32>} : memref<2x4x8x128xf32, #tpu.memory_space<vmem>>, vector<16xf32>,
      tpu.vector_store %arg7[%parallel_loop3A_155, %parallel_loop3A_156, %parallel_loop3A_157, %parallel_loop3A_158], %parallel_loop3A_152 {strides = array<i32>} : memref<2x4x8x128xf32, #tpu.memory_space<vmem>>, vector<16xf32>,
      %parallel_loop3A_160 = arith.constant 9 : i32
      %parallel_loop3A_161 = vector.broadcast %parallel_loop3A_160 : i32 to vector<16xi32>
      %parallel_loop3A_162 = tpu.vector_load_idx %arg6[%parallel_loop3A_161, %parallel_loop3A_149] : memref<16x1000xf32, #tpu.memory_space<vmem>>[vector<16xi32>, vector<16xi32>], vector<16xf32>,
      %parallel_loop3A_163 = arith.constant 1 : i32
      %parallel_loop3A_164 = arith.constant 1 : i32
      %parallel_loop3A_165 = arith.index_cast %parallel_loop3A_163 : i32 to index
      %parallel_loop3A_166 = arith.index_cast %parallel_loop3A_127 : i32 to index
      %parallel_loop3A_167 = arith.index_cast %parallel_loop3A_164 : i32 to index
      %parallel_loop3A_168 = arith.index_cast %parallel_loop3A_145 : i32 to index
      %parallel_loop3A_169 = tpu.vector_load %arg7[%parallel_loop3A_165, %parallel_loop3A_166, %parallel_loop3A_167, %parallel_loop3A_168] {strides = array<i32>} : memref<2x4x8x128xf32, #tpu.memory_space<vmem>>, vector<16xf32>,
      tpu.vector_store %arg7[%parallel_loop3A_165, %parallel_loop3A_166, %parallel_loop3A_167, %parallel_loop3A_168], %parallel_loop3A_162 {strides = array<i32>} : memref<2x4x8x128xf32, #tpu.memory_space<vmem>>, vector<16xf32>,
      %parallel_loop3A_170 = arith.constant 10 : i32
      %parallel_loop3A_171 = vector.broadcast %parallel_loop3A_170 : i32 to vector<16xi32>
      %parallel_loop3A_172 = tpu.vector_load_idx %arg6[%parallel_loop3A_171, %parallel_loop3A_149] : memref<16x1000xf32, #tpu.memory_space<vmem>>[vector<16xi32>, vector<16xi32>], vector<16xf32>,
      %parallel_loop3A_173 = arith.constant 1 : i32
      %parallel_loop3A_174 = arith.constant 2 : i32
      %parallel_loop3A_175 = arith.index_cast %parallel_loop3A_173 : i32 to index
      %parallel_loop3A_176 = arith.index_cast %parallel_loop3A_127 : i32 to index
      %parallel_loop3A_177 = arith.index_cast %parallel_loop3A_174 : i32 to index
      %parallel_loop3A_178 = arith.index_cast %parallel_loop3A_145 : i32 to index
      %parallel_loop3A_179 = tpu.vector_load %arg7[%parallel_loop3A_175, %parallel_loop3A_176, %parallel_loop3A_177, %parallel_loop3A_178] {strides = array<i32>} : memref<2x4x8x128xf32, #tpu.memory_space<vmem>>, vector<16xf32>,
      tpu.vector_store %arg7[%parallel_loop3A_175, %parallel_loop3A_176, %parallel_loop3A_177, %parallel_loop3A_178], %parallel_loop3A_172 {strides = array<i32>} : memref<2x4x8x128xf32, #tpu.memory_space<vmem>>, vector<16xf32>,
      %parallel_loop3A_180 = arith.constant 11 : i32
      %parallel_loop3A_181 = vector.broadcast %parallel_loop3A_180 : i32 to vector<16xi32>
      %parallel_loop3A_182 = tpu.vector_load_idx %arg6[%parallel_loop3A_181, %parallel_loop3A_149] : memref<16x1000xf32, #tpu.memory_space<vmem>>[vector<16xi32>, vector<16xi32>], vector<16xf32>,
      %parallel_loop3A_183 = arith.constant 1 : i32
      %parallel_loop3A_184 = arith.constant 3 : i32
      %parallel_loop3A_185 = arith.index_cast %parallel_loop3A_183 : i32 to index
      %parallel_loop3A_186 = arith.index_cast %parallel_loop3A_127 : i32 to index
      %parallel_loop3A_187 = arith.index_cast %parallel_loop3A_184 : i32 to index
      %parallel_loop3A_188 = arith.index_cast %parallel_loop3A_145 : i32 to index
      %parallel_loop3A_189 = tpu.vector_load %arg7[%parallel_loop3A_185, %parallel_loop3A_186, %parallel_loop3A_187, %parallel_loop3A_188] {strides = array<i32>} : memref<2x4x8x128xf32, #tpu.memory_space<vmem>>, vector<16xf32>,
      tpu.vector_store %arg7[%parallel_loop3A_185, %parallel_loop3A_186, %parallel_loop3A_187, %parallel_loop3A_188], %parallel_loop3A_182 {strides = array<i32>} : memref<2x4x8x128xf32, #tpu.memory_space<vmem>>, vector<16xf32>,
      %parallel_loop3A_190 = arith.constant 12 : i32
      %parallel_loop3A_191 = vector.broadcast %parallel_loop3A_190 : i32 to vector<16xi32>
      %parallel_loop3A_192 = tpu.vector_load_idx %arg6[%parallel_loop3A_191, %parallel_loop3A_149] : memref<16x1000xf32, #tpu.memory_space<vmem>>[vector<16xi32>, vector<16xi32>], vector<16xf32>,
      %parallel_loop3A_193 = arith.constant 1 : i32
      %parallel_loop3A_194 = arith.constant 4 : i32
      %parallel_loop3A_195 = arith.index_cast %parallel_loop3A_193 : i32 to index
      %parallel_loop3A_196 = arith.index_cast %parallel_loop3A_127 : i32 to index
      %parallel_loop3A_197 = arith.index_cast %parallel_loop3A_194 : i32 to index
      %parallel_loop3A_198 = arith.index_cast %parallel_loop3A_145 : i32 to index
      %parallel_loop3A_199 = tpu.vector_load %arg7[%parallel_loop3A_195, %parallel_loop3A_196, %parallel_loop3A_197, %parallel_loop3A_198] {strides = array<i32>} : memref<2x4x8x128xf32, #tpu.memory_space<vmem>>, vector<16xf32>,
      tpu.vector_store %arg7[%parallel_loop3A_195, %parallel_loop3A_196, %parallel_loop3A_197, %parallel_loop3A_198], %parallel_loop3A_192 {strides = array<i32>} : memref<2x4x8x128xf32, #tpu.memory_space<vmem>>, vector<16xf32>,
      %parallel_loop3A_200 = arith.constant 13 : i32
      %parallel_loop3A_201 = vector.broadcast %parallel_loop3A_200 : i32 to vector<16xi32>
      %parallel_loop3A_202 = tpu.vector_load_idx %arg6[%parallel_loop3A_201, %parallel_loop3A_149] : memref<16x1000xf32, #tpu.memory_space<vmem>>[vector<16xi32>, vector<16xi32>], vector<16xf32>,
      %parallel_loop3A_203 = arith.constant 1 : i32
      %parallel_loop3A_204 = arith.constant 5 : i32
      %parallel_loop3A_205 = arith.index_cast %parallel_loop3A_203 : i32 to index
      %parallel_loop3A_206 = arith.index_cast %parallel_loop3A_127 : i32 to index
      %parallel_loop3A_207 = arith.index_cast %parallel_loop3A_204 : i32 to index
      %parallel_loop3A_208 = arith.index_cast %parallel_loop3A_145 : i32 to index
      %parallel_loop3A_209 = tpu.vector_load %arg7[%parallel_loop3A_205, %parallel_loop3A_206, %parallel_loop3A_207, %parallel_loop3A_208] {strides = array<i32>} : memref<2x4x8x128xf32, #tpu.memory_space<vmem>>, vector<16xf32>,
      tpu.vector_store %arg7[%parallel_loop3A_205, %parallel_loop3A_206, %parallel_loop3A_207, %parallel_loop3A_208], %parallel_loop3A_202 {strides = array<i32>} : memref<2x4x8x128xf32, #tpu.memory_space<vmem>>, vector<16xf32>,
      %parallel_loop3A_210 = arith.constant 14 : i32
      %parallel_loop3A_211 = vector.broadcast %parallel_loop3A_210 : i32 to vector<16xi32>
      %parallel_loop3A_212 = tpu.vector_load_idx %arg6[%parallel_loop3A_211, %parallel_loop3A_149] : memref<16x1000xf32, #tpu.memory_space<vmem>>[vector<16xi32>, vector<16xi32>], vector<16xf32>,
      %parallel_loop3A_213 = arith.constant 1 : i32
      %parallel_loop3A_214 = arith.constant 6 : i32
      %parallel_loop3A_215 = arith.index_cast %parallel_loop3A_213 : i32 to index
      %parallel_loop3A_216 = arith.index_cast %parallel_loop3A_127 : i32 to index
      %parallel_loop3A_217 = arith.index_cast %parallel_loop3A_214 : i32 to index
      %parallel_loop3A_218 = arith.index_cast %parallel_loop3A_145 : i32 to index
      %parallel_loop3A_219 = tpu.vector_load %arg7[%parallel_loop3A_215, %parallel_loop3A_216, %parallel_loop3A_217, %parallel_loop3A_218] {strides = array<i32>} : memref<2x4x8x128xf32, #tpu.memory_space<vmem>>, vector<16xf32>,
      tpu.vector_store %arg7[%parallel_loop3A_215, %parallel_loop3A_216, %parallel_loop3A_217, %parallel_loop3A_218], %parallel_loop3A_212 {strides = array<i32>} : memref<2x4x8x128xf32, #tpu.memory_space<vmem>>, vector<16xf32>,
      %parallel_loop3A_220 = arith.constant 15 : i32
      %parallel_loop3A_221 = vector.broadcast %parallel_loop3A_220 : i32 to vector<16xi32>
      %parallel_loop3A_222 = tpu.vector_load_idx %arg6[%parallel_loop3A_221, %parallel_loop3A_149] : memref<16x1000xf32, #tpu.memory_space<vmem>>[vector<16xi32>, vector<16xi32>], vector<16xf32>,
      %parallel_loop3A_223 = arith.constant 1 : i32
      %parallel_loop3A_224 = arith.constant 7 : i32
      %parallel_loop3A_225 = arith.index_cast %parallel_loop3A_223 : i32 to index
      %parallel_loop3A_226 = arith.index_cast %parallel_loop3A_127 : i32 to index
      %parallel_loop3A_227 = arith.index_cast %parallel_loop3A_224 : i32 to index
      %parallel_loop3A_228 = arith.index_cast %parallel_loop3A_145 : i32 to index
      %parallel_loop3A_229 = tpu.vector_load %arg7[%parallel_loop3A_225, %parallel_loop3A_226, %parallel_loop3A_227, %parallel_loop3A_228] {strides = array<i32>} : memref<2x4x8x128xf32, #tpu.memory_space<vmem>>, vector<16xf32>,
      tpu.vector_store %arg7[%parallel_loop3A_225, %parallel_loop3A_226, %parallel_loop3A_227, %parallel_loop3A_228], %parallel_loop3A_222 {strides = array<i32>} : memref<2x4x8x128xf32, #tpu.memory_space<vmem>>, vector<16xf32>,
    } {sc.loop_unroll_factor = 2 : i64, sc.parallel_access}
    %mul3A_80 = arith.constant 4 : i32
    %mul3A_81 = arith.muli %add3A, %mul3A_80 : i32
    %run_scoped3A = arith.constant 1 : i32
    %run_scoped3A_82 = arith.constant 1 : i32
    "tpu.region"() ({
      %run_scoped3A_103 = tpu.sem_alloc : memref<!tpu.dma_semaphore, #tpu.memory_space<semaphore_mem>>
      %dma_start3A_104 = arith.constant 0 : i32
      %dma_start3A_105 = arith.constant 0 : i32
      %dma_start3A_106 = arith.constant 0 : i32
      %dma_start3A_107 = tpu.memref_slice %arg7[%run_scoped3A, %dma_start3A_104, %dma_start3A_105, %dma_start3A_106] : memref<2x4x8x128xf32, #tpu.memory_space<vmem>> -> memref<1x4x8x128xf32, #tpu.memory_space<vmem>>
      %dma_start3A_108 = tpu.memref_squeeze %dma_start3A_107 : memref<1x4x8x128xf32, #tpu.memory_space<vmem>> -> memref<4x8x128xf32, #tpu.memory_space<vmem>>
      %dma_start3A_109 = arith.constant 0 : i32
      %dma_start3A_110 = arith.constant 0 : i32
      %dma_start3A_111 = tpu.memref_slice %arg4[%run_scoped3A_82, %mul3A_81, %dma_start3A_109, %dma_start3A_110] : memref<2x128x8x128xf32, #tpu.memory_space<hbm>> -> memref<1x4x8x128xf32, #tpu.memory_space<hbm>>
      %dma_start3A_112 = tpu.memref_squeeze %dma_start3A_111 : memref<1x4x8x128xf32, #tpu.memory_space<hbm>> -> memref<4x8x128xf32, #tpu.memory_space<hbm>>
      %dma_start3A_113 = arith.constant 0 : i32
      %dma_start3A_114 = arith.constant 0 : i32
      %dma_start3A_115 = tpu.memref_slice %arg4[%run_scoped3A_82, %mul3A_81, %dma_start3A_113, %dma_start3A_114] : memref<2x128x8x128xf32, #tpu.memory_space<hbm>> -> memref<1x4x8x128xf32, #tpu.memory_space<hbm>>
      %dma_start3A_116 = tpu.memref_squeeze %dma_start3A_115 : memref<1x4x8x128xf32, #tpu.memory_space<hbm>> -> memref<4x8x128xf32, #tpu.memory_space<hbm>>
      %dma_start3A_117 = arith.constant 0 : i32
      %dma_start3A_118 = arith.constant 0 : i32
      %dma_start3A_119 = arith.constant 0 : i32
      %dma_start3A_120 = tpu.memref_slice %arg7[%run_scoped3A, %dma_start3A_117, %dma_start3A_118, %dma_start3A_119] : memref<2x4x8x128xf32, #tpu.memory_space<vmem>> -> memref<1x4x8x128xf32, #tpu.memory_space<vmem>>
      %dma_start3A_121 = tpu.memref_squeeze %dma_start3A_120 : memref<1x4x8x128xf32, #tpu.memory_space<vmem>> -> memref<4x8x128xf32, #tpu.memory_space<vmem>>
      tpu.enqueue_dma source(%dma_start3A_121 : memref<4x8x128xf32, #tpu.memory_space<vmem>>) target(%dma_start3A_116 : memref<4x8x128xf32, #tpu.memory_space<hbm>>) target_semaphore(%run_scoped3A_103 : memref<!tpu.dma_semaphore, #tpu.memory_space<semaphore_mem>>)
      %dma_wait3A_122 = arith.constant 0 : i32
      %dma_wait3A_123 = arith.constant 0 : i32
      %dma_wait3A_124 = arith.constant 0 : i32
      %dma_wait3A_125 = tpu.memref_slice %arg7[%run_scoped3A, %dma_wait3A_122, %dma_wait3A_123, %dma_wait3A_124] : memref<2x4x8x128xf32, #tpu.memory_space<vmem>> -> memref<1x4x8x128xf32, #tpu.memory_space<vmem>>
      %dma_wait3A_126 = tpu.memref_squeeze %dma_wait3A_125 : memref<1x4x8x128xf32, #tpu.memory_space<vmem>> -> memref<4x8x128xf32, #tpu.memory_space<vmem>>
      %dma_wait3A_127 = arith.constant 0 : i32
      %dma_wait3A_128 = arith.constant 0 : i32
      %dma_wait3A_129 = tpu.memref_slice %arg4[%run_scoped3A_82, %mul3A_81, %dma_wait3A_127, %dma_wait3A_128] : memref<2x128x8x128xf32, #tpu.memory_space<hbm>> -> memref<1x4x8x128xf32, #tpu.memory_space<hbm>>
      %dma_wait3A_130 = tpu.memref_squeeze %dma_wait3A_129 : memref<1x4x8x128xf32, #tpu.memory_space<hbm>> -> memref<4x8x128xf32, #tpu.memory_space<hbm>>
      %dma_wait3A_131 = arith.constant 0 : i32
      %dma_wait3A_132 = arith.constant 0 : i32
      %dma_wait3A_133 = tpu.memref_slice %arg4[%run_scoped3A_82, %mul3A_81, %dma_wait3A_131, %dma_wait3A_132] : memref<2x128x8x128xf32, #tpu.memory_space<hbm>> -> memref<1x4x8x128xf32, #tpu.memory_space<hbm>>
      %dma_wait3A_134 = tpu.memref_squeeze %dma_wait3A_133 : memref<1x4x8x128xf32, #tpu.memory_space<hbm>> -> memref<4x8x128xf32, #tpu.memory_space<hbm>>
      %dma_wait3A_135 = arith.constant 0 : i32
      %dma_wait3A_136 = arith.constant 0 : i32
      %dma_wait3A_137 = arith.constant 0 : i32
      %dma_wait3A_138 = tpu.memref_slice %arg7[%run_scoped3A, %dma_wait3A_135, %dma_wait3A_136, %dma_wait3A_137] : memref<2x4x8x128xf32, #tpu.memory_space<vmem>> -> memref<1x4x8x128xf32, #tpu.memory_space<vmem>>
      %dma_wait3A_139 = tpu.memref_squeeze %dma_wait3A_138 : memref<1x4x8x128xf32, #tpu.memory_space<vmem>> -> memref<4x8x128xf32, #tpu.memory_space<vmem>>
      tpu.wait_dma2 semaphore(%run_scoped3A_103 : memref<!tpu.dma_semaphore, #tpu.memory_space<semaphore_mem>>) src(%dma_wait3A_139 : memref<4x8x128xf32, #tpu.memory_space<vmem>>) dst(%dma_wait3A_134 : memref<4x8x128xf32, #tpu.memory_space<hbm>>)
      tpu.yield
    }) : () -> ()
    %dma_wait3A_83 = arith.constant 0 : i32
    %dma_wait3A_84 = arith.constant 0 : i32
    %dma_wait3A_85 = arith.constant 0 : i32
    %dma_wait3A_86 = arith.constant 0 : i32
    %dma_wait3A_87 = arith.constant 0 : i32
    %dma_wait3A_88 = tpu.memref_slice %arg7[%dma_wait3A_83, %dma_wait3A_85, %dma_wait3A_86, %dma_wait3A_87] : memref<2x4x8x128xf32, #tpu.memory_space<vmem>> -> memref<1x4x8x128xf32, #tpu.memory_space<vmem>>
    %dma_wait3A_89 = tpu.memref_squeeze %dma_wait3A_88 : memref<1x4x8x128xf32, #tpu.memory_space<vmem>> -> memref<4x8x128xf32, #tpu.memory_space<vmem>>
    %dma_wait3A_90 = arith.constant 0 : i32
    %dma_wait3A_91 = arith.constant 0 : i32
    %dma_wait3A_92 = tpu.memref_slice %arg4[%dma_wait3A_84, %mul3A_44, %dma_wait3A_90, %dma_wait3A_91] : memref<2x128x8x128xf32, #tpu.memory_space<hbm>> -> memref<1x4x8x128xf32, #tpu.memory_space<hbm>>
    %dma_wait3A_93 = tpu.memref_squeeze %dma_wait3A_92 : memref<1x4x8x128xf32, #tpu.memory_space<hbm>> -> memref<4x8x128xf32, #tpu.memory_space<hbm>>
    %dma_wait3A_94 = arith.constant 0 : i32
    %dma_wait3A_95 = arith.constant 0 : i32
    %dma_wait3A_96 = tpu.memref_slice %arg4[%dma_wait3A_84, %mul3A_44, %dma_wait3A_94, %dma_wait3A_95] : memref<2x128x8x128xf32, #tpu.memory_space<hbm>> -> memref<1x4x8x128xf32, #tpu.memory_space<hbm>>
    %dma_wait3A_97 = tpu.memref_squeeze %dma_wait3A_96 : memref<1x4x8x128xf32, #tpu.memory_space<hbm>> -> memref<4x8x128xf32, #tpu.memory_space<hbm>>
    %dma_wait3A_98 = arith.constant 0 : i32
    %dma_wait3A_99 = arith.constant 0 : i32
    %dma_wait3A_100 = arith.constant 0 : i32
    %dma_wait3A_101 = tpu.memref_slice %arg7[%dma_wait3A_83, %dma_wait3A_98, %dma_wait3A_99, %dma_wait3A_100] : memref<2x4x8x128xf32, #tpu.memory_space<vmem>> -> memref<1x4x8x128xf32, #tpu.memory_space<vmem>>
    %dma_wait3A_102 = tpu.memref_squeeze %dma_wait3A_101 : memref<1x4x8x128xf32, #tpu.memory_space<vmem>> -> memref<4x8x128xf32, #tpu.memory_space<vmem>>
    tpu.wait_dma2 semaphore(%arg10 : memref<!tpu.dma_semaphore, #tpu.memory_space<semaphore_mem>>) src(%dma_wait3A_102 : memref<4x8x128xf32, #tpu.memory_space<vmem>>) dst(%dma_wait3A_97 : memref<4x8x128xf32, #tpu.memory_space<hbm>>)
    return
  }
}

</mosaic_0001>

<sc_bundles>
// kernel: kernel.3.cloned.1.call-start
scs
__scs_entry_jumppad:
0x0: {  	(pc) =	sbr.rel $0x88, $3  }
0x1: {  	(tag) =	ssettag $0x0;
	lr =	simm.s32 $0x1  }
0x2: {  	[smem:$0x3F9F] =	sst lr;
	_ =	strace $0xD0000000  }
0x3: {  	_ = 	snop  }
0x4: {  	_ = 	snop  }
0x5: {  	_ = 	snop  }
0x6: {  	_ = 	snop  }
0x7: {  	_ = 	snop  }
__scs_overlays_trampoline_lowered:
0x8: {  	[smem:$0x3FAE] =	sst s0  }
0x9: {  	[smem:$0x3FAF] =	sst s1  }
0xa: {  	[smem:$0x3FB0] =	sst s2  }
0xb: {  	[smem:$0x3FB1] =	sst s3  }
0xc: {  	[smem:$0x3FB2] =	sst s4  }
0xd: {  	[smem:$0x3FB3] =	sst s5  }
0xe: {  	[smem:$0x3FB4] =	sst s6  }
0xf: {  	[smem:$0x3FB5] =	sst s7  }
0x10: {  	[smem:$0x3FB6] =	sst s8  }
0x11: {  	[smem:$0x3FB7] =	sst s9;
	s0 =	simm.s32 @!p0 $0x0  }
0x12: {  	s1 =	sld [smem:$0x3F9D];
	s0 =	simm.s32 @p0 $0x1  }
0x13: {  	[smem:$0x3FB8] =	sst s0;
	s0 =	simm.s32 @!p1 $0x0  }
0x14: {  	s2 =	sld [smem:$0x3F9C];
	s0 =	simm.s32 @p1 $0x1  }
0x15: {  	[smem:$0x3FB9] =	sst s0;
	s0 =	simm.s32 @!p2 $0x0  }
0x16: {  	s3 =	sld [smem:$0x3FDB];
	s0 =	simm.s32 @p2 $0x1  }
0x17: {  	s4 =	simm.s32 $0x1BF5;
	[smem:$0x3FBB] =	sst s0  }
0x18: {  	s0 =	sld [smem:$0x3F9E];
	_ =	swait.ge [sflag:s4], $0x0  }
0x19: {  	s7 =	sld [smem:$0x3F9F]  }
0x1a: {  	s8 =	sadd.s32 $0xFFFFE003, lr  }
0x1b: {  	s9 =	sadd.s32 $0xFFFFFEF7, lr;
	s5 =	simm.s32 $0xFFFFFFFF;
	p2 =	slt.u32 s8, $0xFFFFF086  }
0x1c: {  	p1 =	slt.u32 s9, $0xF7A;
	s5 =	simm.s32 @!p2 $0x0  }
0x1d: {  	s5 =	simm.s32 @p1 $0x1;
	p0 =	seq.s32 s7, s2  }
0x1e: {  	s7 =	smul.u32 @!p0 $0xF7A, s2;
	p2 =	seq.s32 @!p0 s5, $0x0  }
0x1f: {  	s9 =	smul.u32 $0xF7A, s1;
	s8 =	simm.s32 @!p0 $0x1BF5;
	p2 =	por !p2, p0  }
0x20: {  	[sflag:s8] =	ssyncset.s32 @!p0 $0xFFFFF086;
	s6 =	sadd.s32 @!p0 s3, s7;
	s7 =	simm.s32 @!p0 $0x108  }
0x21: {  	s3 =	sadd.s32 s3, s9;
	s6 =	sadd.s32 @!p0 $0x88, s6;
	s7 =	simm.s32 @p2 $0x1082  }
0x22: {  	[simem:s7], [sflag:s8] =	dma.local @!p0 [hbm:s6], $0xF7A  }
0x23: {  	s9 =	sor.u32 $0xD0000000, s2;
	s6 =	simm.s32 $0x108;
	_ =	swait.ge @!p0 [sflag:s8], $0x0  }
0x24: {  	s3 =	sadd.s32 $0x88, s3;
	s6 =	simm.s32 @!p1 $0x1082;
	[sflag:s4] =	ssyncset.s32 $0xFFFFF086  }
0x25: {  	[simem:s6], [sflag:s4] =	dma.local [hbm:s3], $0xF7A  }
0x26: {  	[smem:$0x3F9F] =	sst s1;
	(tag) =	ssettag s2;
	_ =	strace s9  }
0x27: {  	s1 =	sld [smem:$0x3FAF]  }
0x28: {  	s2 =	sld [smem:$0x3FB0]  }
0x29: {  	s4 =	sld [smem:$0x3FB2]  }
0x2a: {  	p0 =	seq.s32 s5, $0x0;
	s5 =	sld [smem:$0x3FB3]  }
0x2b: {  	s6 =	sld [smem:$0x3FB4]  }
0x2c: {  	s7 =	sld [smem:$0x3FB5]  }
0x2d: {  	s3 =	simm.s32 $0x108;
	s8 =	sld [smem:$0x3FB6]  }
0x2e: {  	s3 =	simm.s32 @!p0 $0x1082;
	s9 =	sld [smem:$0x3FB7]  }
0x2f: {  	lr =	sadd.s32 s0, s3;
	s0 =	sld [smem:$0x3FAE]  }
0x30: {  	s3 =	sld [smem:$0x3FB1]  }
0x31: {  	[smem:$0x3FBA] =	sst s10  }
0x32: {  	s10 =	sld [smem:$0x3FB8];
	_ =	sdelay $0x3  }
0x33: {  	p0 =	seq.s32 s10, $0x1;
	s10 =	sld [smem:$0x3FBA];
	_ =	sdelay $0x3  }
0x34: {  	[smem:$0x3FBA] =	sst s10  }
0x35: {  	s10 =	sld [smem:$0x3FB9];
	_ =	sdelay $0x3  }
0x36: {  	p1 =	seq.s32 s10, $0x1;
	s10 =	sld [smem:$0x3FBA];
	_ =	sdelay $0x3  }
0x37: {  	[smem:$0x3FBA] =	sst s10  }
0x38: {  	s10 =	sld [smem:$0x3FBB]  }
0x39: {  	_ = 	snop;
	(pc) =	sbr.ind lr, $3  }
0x3a: {  	_ = 	snop  }
0x3b: {  	_ = 	snop  }
0x3c: {  	p2 =	seq.s32 s10, $0x1;
	s10 =	sld [smem:$0x3FBA]  }
0x3d: {  	_ =	shalt  }
0x3e: {  	_ =	shalt  }
0x3f: {  	_ =	shalt  }
0x40: {  	_ =	shalt  }
0x41: {  	_ =	shalt  }
0x42: {  	_ =	shalt  }
0x43: {  	_ =	shalt  }
0x44: {  	_ =	shalt  }
0x45: {  	_ =	shalt  }
0x46: {  	_ =	shalt  }
0x47: {  	_ =	shalt  }
0x48: {  	_ =	shalt  }
0x49: {  	_ =	shalt  }
0x4a: {  	_ =	shalt  }
0x4b: {  	_ =	shalt  }
0x4c: {  	_ =	shalt  }
0x4d: {  	_ =	shalt  }
0x4e: {  	_ =	shalt  }
0x4f: {  	_ =	shalt  }
0x50: {  	_ =	shalt  }
0x51: {  	_ =	shalt  }
0x52: {  	_ =	shalt  }
0x53: {  	_ =	shalt  }
0x54: {  	_ =	shalt  }
0x55: {  	_ =	shalt  }
0x56: {  	_ =	shalt  }
0x57: {  	_ =	shalt  }
0x58: {  	_ =	shalt  }
0x59: {  	_ =	shalt  }
0x5a: {  	_ =	shalt  }
0x5b: {  	_ =	shalt  }
0x5c: {  	_ =	shalt  }
0x5d: {  	_ =	shalt  }
0x5e: {  	_ =	shalt  }
0x5f: {  	_ =	shalt  }
0x60: {  	_ =	shalt  }
0x61: {  	_ =	shalt  }
0x62: {  	_ =	shalt  }
0x63: {  	_ =	shalt  }
0x64: {  	_ =	shalt  }
0x65: {  	_ =	shalt  }
0x66: {  	_ =	shalt  }
0x67: {  	_ =	shalt  }
0x68: {  	_ =	shalt  }
0x69: {  	_ =	shalt  }
0x6a: {  	_ =	shalt  }
0x6b: {  	_ =	shalt  }
0x6c: {  	_ =	shalt  }
0x6d: {  	_ =	shalt  }
0x6e: {  	_ =	shalt  }
0x6f: {  	_ =	shalt  }
0x70: {  	_ =	shalt  }
0x71: {  	_ =	shalt  }
0x72: {  	_ =	shalt  }
0x73: {  	_ =	shalt  }
0x74: {  	_ =	shalt  }
0x75: {  	_ =	shalt  }
0x76: {  	_ =	shalt  }
0x77: {  	_ =	shalt  }
0x78: {  	_ =	shalt  }
0x79: {  	_ =	shalt  }
0x7a: {  	_ =	shalt  }
0x7b: {  	_ =	shalt  }
0x7c: {  	_ =	shalt  }
0x7d: {  	_ =	shalt  }
0x7e: {  	_ =	shalt  }
0x7f: {  	_ =	shalt  }
0x80: {  	_ =	shalt  }
0x81: {  	_ =	shalt  }
0x82: {  	_ =	shalt  }
0x83: {  	_ =	shalt  }
0x84: {  	_ =	shalt  }
0x85: {  	_ =	shalt  }
0x86: {  	_ =	shalt  }
0x87: {  	_ =	shalt  }
.Lfunc_end0:
.L_simem_size_0:
called_computation_lowered:
.L_overlay_start_0:
0x88: {  	s2 =	sld [smem:$0x3FD9]  }
0x89: {  	s3 =	sld [smem:$0x3FFE];
	_ =	sdelay $0x1  }
0x8a: {  	s1 =	srdreg.scid  }
0x8b: {  	s0 =	sand.u32 $0x1, s1  }
0x8c: {  	s17 =	sshll.u32 s0, $0xA;
	s2 =	sadd.s32 s3, s2  }
0x8d: {  	s2 =	sadd.s32 s2, s17  }
0x8e: {  	[smem:$0x3FC6] =	sst s2  }
0x8f: {  	_ = 	snop  }
0x90: {  	s2 =	sld [smem:$0x3FC9]  }
0x91: {  	s18 =	sld [smem:$0x3FD0];
	(tm) =	ssettm $0x1  }
0x92: {  	s4 =	sld [smem:$0x3FFB];
	_ =	sdelay $0x3  }
0x93: {  	_ =	strace s4  }
0x94: {  	s4 =	sld [smem:$0x3FFC];
	_ =	sdelay $0x3  }
0x95: {  	_ =	strace s4  }
0x96: {  	s4 =	sld [smem:$0x3FFD];
	_ =	sdelay $0x3  }
0x97: {  	_ =	strace s4  }
0x98: {  	_ =	strace $0x8FFFFFFF  }
0x99: {  	s19 =	sld [smem:$0x3FDB];
	_ =	sdelay $0x1  }
0x9a: {  	s5 =	simm.s32 $_scs_section_size  }
0x9b: {  	s6 =	simm.s32 $_size__tile_overlayer_lowered;
	s7 =	simm.s32 $_tile_overlayer_lowered  }
0x9c: {  	s22 =	simm.s32 $0x1BFF;
	s21 =	sshll.u32 s7, $0x1;
	s4 =	sadd.s32 s5, s19  }
0x9d: {  	s8 =	simm.s32 $0x0;
	s20 =	sshll.u32 s6, $0x1;
	s6 =	sadd.s32 s21, s4  }
0x9e: {  	[timem:s8], [sflag:s22] =	dma.local [hbm:s6], s20  }
0x9f: {  	_ =	swait.ge [sflag:s22], s20  }
0xa0: {  	s5 =	ssub.s32 $0x0, s20;
	[sflag:s22] =	ssyncset.done $0x0  }
0xa1: {  	[sflag:s22] =	ssyncadd.s32 s5;
	_ =	sdelay $0x1  }
0xa2: {  	s23 =	simm.s32 $0x1B8B  }
0xa3: {  	_ =	swait.ge [sflag:s23], $0x1  }
0xa4: {  	[sflag:s23] =	ssyncset.done $0x0  }
0xa5: {  	s25 =	simm.s32 $0x1B8E;
	s24 =	sld [smem:$0x3FFE];
	[sflag:s23] =	ssyncadd.s32 $0xFFFFFFFF  }
0xa6: {  	s26 =	simm.s32 $execute0_lowered;
	[smem:$0x3FD2] =	sst s25  }
0xa7: {  	s6 =	sshll.u32 s26, $0x1;
	_ =	strace $0x80000046;
	[dreg:$0x1] =	wrdreg $0xFFFFFFFF  }
0xa8: {  	s28 =	simm.s32 $_size_execute0_lowered;
	s4 =	sadd.s32 s4, s6;
	[dreg:$0x0] =	wrdreg $0x0  }
0xa9: {  	s6 =	sshll.u32 s28, $0x1;
	[dreg:$0x2] =	wrdreg s4  }
0xaa: {  	[dreg:$0x3] =	wrdreg s6  }
0xab: {  	[dreg:$0x4] =	wrdreg $0xC0  }
0xac: {  	_ =	task [dreg:s8], $0x5FFFF  }
0xad: {  	[dreg:$0x1] =	wrdreg $0xFFFFFFFF  }
0xae: {  	[dreg:$0x0] =	wrdreg $0x60  }
0xaf: {  	[dreg:$0x2] =	wrdreg s2  }
0xb0: {  	[dreg:$0x3] =	wrdreg s24  }
0xb1: {  	[dreg:$0x4] =	wrdreg s18  }
0xb2: {  	[dreg:$0x5] =	wrdreg $0x9  }
0xb3: {  	_ =	task.clear_ibuf [dreg:s8], $0x6FFFF;
	_ =	strace $0x90000046  }
0xb4: {  	s29 =	simm.s32 $0x9;
	_ =	strace $0x80000048  }
0xb5: {  	_ =	swait.ge [sflag:s29], $0x1  }
0xb6: {  	[sflag:s29] =	ssyncadd.s32 $0xFFFFFFFF  }
0xb7: {  	_ =	strace $0x90000048  }
0xb8: {  	_ =	sfence  }
0xb9: {  	s30 =	sld [smem:$0x0];
	_ =	sdelay $0x2  }
0xba: {  	s31 =	sshll.u32 s1, $0xD;
	s1 =	sshrl.u32 s1, $0x2  }
0xbb: {  	s3 =	sand.u32 $0x4000, s31;
	s1 =	sadd.s32 s1, s30  }
0xbc: {  	s0 =	sor.u32 s3, s0;
	s1 =	sshll.u32 s1, $0x11  }
0xbd: {  	s0 =	sor.u32 s1, s0  }
0xbe: {  	s0 =	sadd.s32 $0x8F2B, s0  }
0xbf: {  	[sflag:s0] =	ssyncadd.remote.s32 $0x1  }
0xc0: {  	_ =	sfence.sel $0xFFFF  }
0xc1: {  	[dreg:$0x0] =	wrdreg $0xFFFFFFFF;
	(pc) =	sbr.abs _section_cstart, $3  }
0xc2: {  	[dreg:$0x1] =	wrdreg $0xFFFFFFFF  }
0xc3: {  	_ =	task.clear_ibuf [dreg:s8], $0x2FFFF;
	_ =	strace $0x9FFFFFFF  }
0xc4: {  	(tm) =	ssettm $0x7FFFFFFF  }
0xc5: {  	_ =	shalt  }
tec
execute0_lowered:
.L_overlay_start_1:
0x0: {  	(tag) =	ssettag $0x1  }
0x1: {  	s0 =	rddreg [dreg:$0x0]  }
0x2: {  	s1 =	rddreg [dreg:$0x1]  }
0x3: {  	s3 =	rddreg [dreg:$0x2]  }
0x4: {  	s2 =	simm.s32 $0x0;
	s4 =	srdreg.scid;
	s5 =	stileid.u32  }
0x5: {  	s9 =	simm.s32 $0x200;
	s11 =	simm.s32 $0x1;
	s13 =	simm.s32 $0x2  }
0x6: {  	[smem:$0x7FF] =	sst s2;
	s4 =	sand.u32 $0x1, s4;
	s5 =	sshll.u32 s5, $0x1  }
0x7: {  	s6 =	sadd.s32 $0x400, s1;
	s29 =	sadd.s32 $0x7E8, s1;
	_ =	strace $0x80000047  }
0x8: {  	[dreg:$0x4] =	wrdreg s6;
	s26 =	ssub.s32 $0x2, s4;
	s4 =	sor.u32 s4, s5  }
0x9: {  	[dreg:$0x6] =	wrdreg s29;
	s7 =	sshll.u32 s4, $0x6;
	s4 =	sshll.u32 s4, $0x9  }
0xa: {  	s28 =	sshrl.u32 s26, $0x1;
	s0 =	sadd.s32 s0, s7;
	s5 =	sadd.s32 s3, s4  }
0xb: {  	s8 =	ssub.s32 s26, s28;
	[dreg:$0x5] =	wrdreg s0;
	s30 =	sadd.s32 $0x4000, s5  }
0xc: {  	s15 =	simm.s32 $0x4;
	s31 =	smax.u32 s8, $0x1;
	[dreg:$0x7] =	wrdreg s30  }
0xd: {  	s16 =	simm.s32 $0x3;
	s17 =	simm.s32 $0x0;
	[dreg:$0x8] =	wrdreg s31  }
.LBB2_1:
0xe: {  	s0 =	rddreg [dreg:$0x5]  }
0xf: {  	[tilespmem:s2], [sflag:$0x1] =	stream.linear.gather [hbm4b:s0+s2], $0x200, $0x38;
	[tilespmem:$0x6080] =	vst v63  }
0x10: {  	s14 =	rddreg [dreg:$0x4]  }
0x11: {  	[tilespmem:s9], [sflag:$0x1] =	stream.linear.gather [hbm4b:s14+s2], $0x1F40, $0x38;
	[tilespmem:$0x6080] =	vst v63  }
0x12: {  	s18 =	rddreg [dreg:$0x6];
	s1 =	simm.s32 $0x2140  }
0x13: {  	[tilespmem:s1], [sflag:$0x2] =	stream.linear.gather [hbm4b:s18+s2], $0x1F40, $0x38;
	[tilespmem:$0x6080] =	vst v63  }
0x14: {  	_ =	swait.ge [sflag:s11], $0x200  }
0x15: {  	[sflag:s11] =	ssyncset.done $0x0  }
0x16: {  	[sflag:s11] =	ssyncadd.s32 $0xFFFFFE00  }
0x17: {  	_ =	swait.ge [sflag:s11], $0x1F40  }
0x18: {  	[sflag:s11] =	ssyncset.done $0x0  }
0x19: {  	s19 =	simm.s32 $0x10;
	[sflag:s11] =	ssyncadd.s32 $0xFFFFE0C0  }
0x1a: {  	v1 =	vld [tilespmem:s19+$0x0];
	_ =	sdelay $0x1  }
0x1b: {  	v2 =	vld [tilespmem:s19+$0xFFFFFFF0];
	_ =	sdelay $0x5  }
0x1c: {  	v0 =	vld.idx.msk [tilespmem:v1+s9+$0x0], $0xffff  }
0x1d: {  	v4 =	vadd.s32 $0x3E8, v1  }
0x1e: {  	s20 =	sand.u32 $0xC00, s2;
	v3 =	vld.idx.msk [tilespmem:v2+s9+$0x0], $0xffff  }
0x1f: {  	s3 =	simm.s32 $0x0;
	s4 =	sor.u32 $0x4080, s20;
	s0 =	sand.u32 $0x70, s19;
	v5 =	vadd.s32 $0x3E8, v2  }
0x20: {  	s21 =	simm.s32 $0x30;
	s22 =	simm.s32 $0x100;
	s1 =	sor.u32 s0, s4  }
0x21: {  	s23 =	simm.s32 $0x20;
	s24 =	simm.s32 $0x50;
	s3 =	sand.u32 $0x60, s3;
	v7 =	vld [tilespmem:s21+$0x0];
	[tilespmem:s1+$0x0] =	vst v0  }
0x22: {  	s25 =	simm.s32 $0x200;
	s18 =	sor.u32 s3, s4;
	s3 =	sand.u32 $0xC00, s22;
	v0 =	vld.idx.msk [tilespmem:v4+s9+$0x0], $0xffff  }
0x23: {  	s0 =	sand.u32 $0x70, s21;
	s4 =	sand.u32 $0x60, s23;
	s3 =	sor.u32 $0x4080, s3;
	[tilespmem:s18+$0x0] =	vst v3;
	v4 =	vadd.s32 $0x7D0, v1  }
0x24: {  	s20 =	sor.u32 s4, s3;
	s19 =	sor.u32 s0, s3;
	s3 =	sand.u32 $0xC00, s25;
	v3 =	vld.idx.msk [tilespmem:v5+s9+$0x0], $0xffff  }
0x25: {  	s0 =	sand.u32 $0x70, s24;
	s3 =	sor.u32 $0x4080, s3;
	v6 =	vadd.s32 $0x7D0, v2;
	v5 =	vld [tilespmem:s21+$0xFFFFFFF0]  }
0x26: {  	s21 =	sor.u32 s0, s3;
	s0 =	simm.s32 $0x70  }
0x27: {  	v19 =	vld [tilespmem:s0+$0xFFFFFFF0];
	[tilespmem:s1+$0x80] =	vst v0  }
0x28: {  	v0 =	vld.idx.msk [tilespmem:v4+s9+$0x0], $0xffff  }
0x29: {  	v8 =	vld.idx.msk [tilespmem:v7+s9+$0x0], $0xffff;
	[tilespmem:s18+$0x80] =	vst v3;
	v3 =	vadd.s32 $0xBB8, v1  }
0x2a: {  	v10 =	vadd.s32 $0x3E8, v7;
	v4 =	vld.idx.msk [tilespmem:v6+s9+$0x0], $0xffff;
	_ =	sdelay $0x1  }
0x2b: {  	v12 =	vld [tilespmem:s24+$0xFFFFFFF0];
	v6 =	vadd.s32 $0xBB8, v2  }
0x2c: {  	v9 =	vld.idx.msk [tilespmem:v5+s9+$0x0], $0xffff;
	[tilespmem:s1+$0x100] =	vst v0  }
0x2d: {  	[tilespmem:s19+$0x0] =	vst v8;
	v11 =	vadd.s32 $0x3E8, v5;
	v3 =	vld.idx.msk [tilespmem:v3+s9+$0x0], $0xffff  }
0x2e: {  	v8 =	vld.idx.msk [tilespmem:v10+s9+$0x0], $0xffff;
	[tilespmem:s18+$0x100] =	vst v4;
	v4 =	vadd.s32 $0xFA0, v1  }
0x2f: {  	v21 =	vld.idx.msk [tilespmem:v19+s9+$0x0], $0xffff  }
0x30: {  	s26 =	simm.s32 $0x40;
	s10 =	simm.s32 $0x300;
	v25 =	vadd.s32 $0x3E8, v19;
	v6 =	vld.idx.msk [tilespmem:v6+s9+$0x0], $0xffff  }
0x31: {  	s29 =	simm.s32 $0x60;
	s28 =	sand.u32 $0xC00, s10;
	s4 =	sand.u32 $0x60, s26;
	v10 =	vadd.s32 $0xFA0, v2;
	v0 =	vld [tilespmem:s24+$0x0];
	[tilespmem:s20+$0x0] =	vst v9  }
0x32: {  	s30 =	sor.u32 $0x4080, s28;
	s22 =	sor.u32 s4, s3;
	s3 =	sand.u32 $0x60, s29;
	v9 =	vld.idx.msk [tilespmem:v11+s9+$0x0], $0xffff;
	[tilespmem:s1+$0x180] =	vst v3;
	v3 =	vadd.s32 $0x7D0, v7  }
0x33: {  	s12 =	sor.u32 s3, s30;
	v11 =	vadd.s32 $0x7D0, v5;
	v4 =	vld.idx.msk [tilespmem:v4+s9+$0x0], $0xffff  }
0x34: {  	v13 =	vadd.s32 $0x1388, v1;
	[tilespmem:s12+$0x0] =	vst v21  }
0x35: {  	v21 =	vld.idx.msk [tilespmem:v25+s9+$0x0], $0xffff;
	[tilespmem:s18+$0x180] =	vst v6  }
0x36: {  	[tilespmem:s19+$0x80] =	vst v8;
	v6 =	vld.idx.msk [tilespmem:v10+s9+$0x0], $0xffff  }
0x37: {  	v8 =	vadd.s32 $0x1388, v2;
	[tilespmem:s20+$0x80] =	vst v9;
	v3 =	vld.idx.msk [tilespmem:v3+s9+$0x0], $0xffff  }
0x38: {  	v10 =	vadd.s32 $0xBB8, v7;
	v9 =	vld.idx.msk [tilespmem:v11+s9+$0x0], $0xffff;
	[tilespmem:s1+$0x200] =	vst v4  }
0x39: {  	v4 =	vadd.s32 $0xBB8, v5;
	v11 =	vld.idx.msk [tilespmem:v13+s9+$0x0], $0xffff  }
0x3a: {  	v14 =	vadd.s32 $0x1770, v1;
	v13 =	vld.idx.msk [tilespmem:v0+s9+$0x0], $0xffff  }
0x3b: {  	v15 =	vadd.s32 $0x3E8, v0;
	[tilespmem:s18+$0x200] =	vst v6;
	v6 =	vld.idx.msk [tilespmem:v12+s9+$0x0], $0xffff  }
0x3c: {  	v16 =	vadd.s32 $0x3E8, v12;
	[tilespmem:s19+$0x100] =	vst v3;
	v3 =	vld.idx.msk [tilespmem:v8+s9+$0x0], $0xffff  }
0x3d: {  	[tilespmem:s20+$0x100] =	vst v9;
	v8 =	vld.idx.msk [tilespmem:v10+s9+$0x0], $0xffff  }
0x3e: {  	v9 =	vadd.s32 $0xFA0, v7;
	v4 =	vld.idx.msk [tilespmem:v4+s9+$0x0], $0xffff;
	[tilespmem:s1+$0x280] =	vst v11  }
0x3f: {  	[tilespmem:s21+$0x0] =	vst v13;
	v11 =	vadd.s32 $0xFA0, v5;
	v10 =	vld.idx.msk [tilespmem:v14+s9+$0x0], $0xffff  }
0x40: {  	[tilespmem:s22+$0x0] =	vst v6;
	v6 =	vld.idx.msk [tilespmem:v15+s9+$0x0], $0xffff;
	v14 =	vadd.s32 $0x1B58, v1  }
0x41: {  	v13 =	vld.idx.msk [tilespmem:v16+s9+$0x0], $0xffff;
	v15 =	vadd.s32 $0x7D0, v0  }
0x42: {  	v1 =	vld [tilespmem:s0+$0x0];
	[tilespmem:s19+$0x180] =	vst v8;
	v8 =	vadd.s32 $0x7D0, v12  }
0x43: {  	v16 =	vadd.s32 $0x1770, v2;
	[tilespmem:s20+$0x180] =	vst v4;
	v9 =	vld.idx.msk [tilespmem:v9+s9+$0x0], $0xffff  }
0x44: {  	v4 =	vld.idx.msk [tilespmem:v11+s9+$0x0], $0xffff;
	v11 =	vadd.s32 $0x1388, v7;
	[tilespmem:s1+$0x300] =	vst v10  }
0x45: {  	[tilespmem:s21+$0x80] =	vst v6;
	v6 =	vld.idx.msk [tilespmem:v14+s9+$0x0], $0xffff  }
0x46: {  	[tilespmem:s22+$0x80] =	vst v13;
	v13 =	vadd.s32 $0x1388, v5;
	v10 =	vld.idx.msk [tilespmem:v15+s9+$0x0], $0xffff  }
0x47: {  	[tilespmem:s18+$0x280] =	vst v3;
	v3 =	vld.idx.msk [tilespmem:v8+s9+$0x0], $0xffff;
	v8 =	vadd.s32 $0xBB8, v0  }
0x48: {  	v22 =	vadd.s32 $0x1770, v7;
	v14 =	vadd.s32 $0xBB8, v12;
	[tilespmem:s19+$0x200] =	vst v9;
	v9 =	vld.idx.msk [tilespmem:v16+s9+$0x0], $0xffff  }
0x49: {  	v23 =	vadd.s32 $0x3E8, v1;
	v16 =	vadd.s32 $0x1B58, v2;
	[tilespmem:s20+$0x200] =	vst v4;
	v4 =	vadd.s32 $0x1770, v5;
	v15 =	vld.idx.msk [tilespmem:v11+s9+$0x0], $0xffff  }
0x4a: {  	v20 =	vld.idx.msk [tilespmem:v1+s9+$0x0], $0xffff;
	v2 =	vadd.s32 $0x1B58, v5;
	v5 =	vadd.s32 $0x1B58, v19;
	v11 =	vadd.s32 $0xFA0, v12;
	[tilespmem:s1+$0x380] =	vst v6  }
0x4b: {  	v24 =	vld.idx.msk [tilespmem:v13+s9+$0x0], $0xffff;
	v13 =	vadd.s32 $0xBB8, v19;
	[tilespmem:s21+$0x100] =	vst v10;
	v6 =	vadd.s32 $0x1770, v12;
	v10 =	vadd.s32 $0x1388, v19  }
0x4c: {  	[tilespmem:s22+$0x100] =	vst v3;
	v17 =	vld.idx.msk [tilespmem:v8+s9+$0x0], $0xffff;
	v8 =	vadd.s32 $0x1388, v12;
	v3 =	vadd.s32 $0x1B58, v12;
	v12 =	vadd.s32 $0x7D0, v19  }
0x4d: {  	s31 =	sand.u32 $0x70, s0;
	v18 =	vld.idx.msk [tilespmem:v14+s9+$0x0], $0xffff;
	[tilespmem:s18+$0x300] =	vst v9;
	v14 =	vadd.s32 $0xFA0, v19;
	v9 =	vadd.s32 $0x1770, v19;
	v19 =	vadd.s32 $0xFA0, v0  }
0x4e: {  	s1 =	sor.u32 s31, s30;
	[tilespmem:s19+$0x280] =	vst v15;
	v16 =	vld.idx.msk [tilespmem:v16+s9+$0x0], $0xffff  }
0x4f: {  	[tilespmem:s1+$0x0] =	vst v20;
	v15 =	vld.idx.msk [tilespmem:v22+s9+$0x0], $0xffff  }
0x50: {  	s23 =	simm.s32 $0x6;
	s24 =	simm.s32 $0x90;
	v7 =	vadd.s32 $0x1B58, v7;
	v20 =	vld.idx.msk [tilespmem:v23+s9+$0x0], $0xffff;
	[tilespmem:s20+$0x280] =	vst v24  }
.LBB2_2:
0x51: {  	v22 =	vld [tilespmem:s24+$0x0];
	v23 =	vadd.s32 $0x7D0, v1;
	[tilespmem:s21+$0x180] =	vst v17  }
0x52: {  	s23 =	sadd.s32 $0x2, s23;
	[tilespmem:s22+$0x180] =	vst v18;
	v17 =	vld.idx.msk [tilespmem:v19+s9+$0x0], $0xffff  }
0x53: {  	p0 =	slt.u32 s23, $0x1E;
	v18 =	vld [tilespmem:s24+$0xFFFFFFF0];
	[tilespmem:s18+$0x380] =	vst v16;
	s18 =	smov.u32 s20;
	s20 =	smov.u32 s22  }
0x54: {  	v19 =	vadd.s32 $0x1388, v0;
	s22 =	smov.u32 s12;
	v16 =	vld.idx.msk [tilespmem:v11+s9+$0x0], $0xffff;
	[tilespmem:s19+$0x300] =	vst v15;
	v11 =	vmov v14  }
0x55: {  	[tilespmem:s1+$0x80] =	vst v20;
	v7 =	vld.idx.msk [tilespmem:v7+s9+$0x0], $0xffff  }
0x56: {  	[tilespmem:s22+$0x80] =	vst v21;
	v15 =	vld.idx.msk [tilespmem:v23+s9+$0x0], $0xffff  }
0x57: {  	v20 =	vld.idx.msk [tilespmem:v12+s9+$0x0], $0xffff  }
0x58: {  	v23 =	vadd.s32 $0xBB8, v1;
	v21 =	vadd.s32 $0x3E8, v18;
	v12 =	vadd.s32 $0x7D0, v18;
	[tilespmem:s21+$0x200] =	vst v17;
	v24 =	vld.idx.msk [tilespmem:v4+s9+$0x0], $0xffff;
	v4 =	vmovc v6;
	v6 =	vmovc v9  }
0x59: {  	v25 =	vadd.s32 $0xBB8, v18;
	v14 =	vadd.s32 $0xFA0, v18;
	v17 =	vadd.s32 $0x1388, v18;
	v26 =	vld.idx.msk [tilespmem:v19+s9+$0x0], $0xffff  }
0x5a: {  	v9 =	vadd.s32 $0x1770, v18;
	v27 =	vadd.s32 $0x1B58, v18;
	v28 =	vld.idx.msk [tilespmem:v22+s9+$0x0], $0xffff;
	[tilespmem:s20+$0x200] =	vst v16  }
0x5b: {  	v30 =	vadd.s32 $0x1770, v0;
	v29 =	vld.idx.msk [tilespmem:v18+s9+$0x0], $0xffff;
	[tilespmem:s19+$0x380] =	vst v7;
	s19 =	smov.u32 s21;
	s21 =	smov.u32 s1  }
0x5c: {  	s10 =	sadd.s32 $0x100, s10;
	s0 =	sadd.s32 $0x20, s0;
	v7 =	vadd.s32 $0x3E8, v22;
	[tilespmem:s21+$0x100] =	vst v15;
	v31 =	vld.idx.msk [tilespmem:v8+s9+$0x0], $0xffff;
	v8 =	vmov v10;
	v10 =	vmov v17  }
0x5d: {  	s3 =	sadd.s32 $0xFFFFFFF0, s0;
	s1 =	sand.u32 $0xC00, s10;
	[tilespmem:s22+$0x100] =	vst v20;
	v17 =	vld.idx.msk [tilespmem:v23+s9+$0x0], $0xffff  }
.Ltmp0:
0x5e: {  	s4 =	sor.u32 $0x4080, s1;
	s1 =	sand.u32 $0x70, s0;
	v18 =	vld.idx.msk [tilespmem:v13+s9+$0x0], $0xffff;
	[tilespmem:s18+$0x300] =	vst v24;
	(pc) =	sbr.rel @p0 .LBB2_2-.Ltmp0, $4  }
0x5f: {  	s3 =	sand.u32 $0x60, s3;
	v19 =	vadd.s32 $0xFA0, v1;
	s1 =	sor.u32 s1, s4;
	v13 =	vmovc v25;
	[tilespmem:s19+$0x280] =	vst v26;
	v16 =	vld.idx.msk [tilespmem:v2+s9+$0x0], $0xffff;
	v2 =	vmovc v3;
	v3 =	vmov v5;
	v5 =	vmov v27  }
0x60: {  	s12 =	sor.u32 s3, s4;
	[tilespmem:s1+$0x0] =	vst v28;
	v15 =	vld.idx.msk [tilespmem:v30+s9+$0x0], $0xffff  }
0x61: {  	[tilespmem:s12+$0x0] =	vst v29;
	v20 =	vld.idx.msk [tilespmem:v7+s9+$0x0], $0xffff  }
0x62: {  	s24 =	sadd.s32 $0x20, s24;
	v7 =	vadd.s32 $0x1B58, v0;
	v0 =	vmov v1;
	v1 =	vmov v22;
	v21 =	vld.idx.msk [tilespmem:v21+s9+$0x0], $0xffff;
	[tilespmem:s20+$0x280] =	vst v31  }
0x63: {  	v22 =	vadd.s32 $0x7D0, v1;
	_ =	sdelay $0x3  }
0x64: {  	[tilespmem:s1+$0x80] =	vst v20  }
0x65: {  	[tilespmem:s12+$0x80] =	vst v21;
	v20 =	vld.idx.msk [tilespmem:v22+s9+$0x0], $0xffff  }
0x66: {  	v21 =	vadd.s32 $0xBB8, v1;
	v12 =	vld.idx.msk [tilespmem:v12+s9+$0x0], $0xffff;
	_ =	sdelay $0x3  }
0x67: {  	[tilespmem:s1+$0x100] =	vst v20  }
0x68: {  	[tilespmem:s12+$0x100] =	vst v12;
	v12 =	vld.idx.msk [tilespmem:v21+s9+$0x0], $0xffff  }
0x69: {  	v20 =	vadd.s32 $0xFA0, v1;
	v13 =	vld.idx.msk [tilespmem:v13+s9+$0x0], $0xffff;
	_ =	sdelay $0x1  }
0x6a: {  	[tilespmem:s21+$0x180] =	vst v17  }
0x6b: {  	[tilespmem:s22+$0x180] =	vst v18;
	v17 =	vld.idx.msk [tilespmem:v19+s9+$0x0], $0xffff  }
0x6c: {  	v18 =	vadd.s32 $0x1388, v0;
	v11 =	vld.idx.msk [tilespmem:v11+s9+$0x0], $0xffff;
	[tilespmem:s1+$0x180] =	vst v12  }
0x6d: {  	[tilespmem:s12+$0x180] =	vst v13;
	v12 =	vld.idx.msk [tilespmem:v20+s9+$0x0], $0xffff  }
0x6e: {  	v13 =	vld.idx.msk [tilespmem:v14+s9+$0x0], $0xffff;
	v14 =	vadd.s32 $0x1388, v1;
	_ =	sdelay $0x1  }
0x6f: {  	[tilespmem:s21+$0x200] =	vst v17  }
0x70: {  	[tilespmem:s22+$0x200] =	vst v11;
	v17 =	vld.idx.msk [tilespmem:v18+s9+$0x0], $0xffff  }
0x71: {  	v11 =	vadd.s32 $0x1770, v0;
	v8 =	vld.idx.msk [tilespmem:v8+s9+$0x0], $0xffff;
	[tilespmem:s1+$0x200] =	vst v12  }
0x72: {  	[tilespmem:s12+$0x200] =	vst v13;
	v12 =	vld.idx.msk [tilespmem:v14+s9+$0x0], $0xffff  }
0x73: {  	v13 =	vadd.s32 $0x1770, v1;
	v10 =	vld.idx.msk [tilespmem:v10+s9+$0x0], $0xffff  }
0x74: {  	[tilespmem:s18+$0x380] =	vst v16  }
0x75: {  	v4 =	vld.idx.msk [tilespmem:v4+s9+$0x0], $0xffff;
	[tilespmem:s21+$0x280] =	vst v17  }
0x76: {  	[tilespmem:s22+$0x280] =	vst v8;
	v11 =	vld.idx.msk [tilespmem:v11+s9+$0x0], $0xffff  }
0x77: {  	v0 =	vadd.s32 $0x1B58, v0;
	v6 =	vld.idx.msk [tilespmem:v6+s9+$0x0], $0xffff;
	[tilespmem:s1+$0x280] =	vst v12  }
0x78: {  	[tilespmem:s12+$0x280] =	vst v10;
	v8 =	vld.idx.msk [tilespmem:v13+s9+$0x0], $0xffff  }
0x79: {  	[tilespmem:s19+$0x300] =	vst v15;
	v1 =	vadd.s32 $0x1B58, v1;
	v9 =	vld.idx.msk [tilespmem:v9+s9+$0x0], $0xffff  }
0x7a: {  	v7 =	vld.idx.msk [tilespmem:v7+s9+$0x0], $0xffff;
	[tilespmem:s20+$0x300] =	vst v4  }
0x7b: {  	v2 =	vld.idx.msk [tilespmem:v2+s9+$0x0], $0xffff;
	[tilespmem:s21+$0x300] =	vst v11  }
0x7c: {  	[tilespmem:s22+$0x300] =	vst v6;
	v0 =	vld.idx.msk [tilespmem:v0+s9+$0x0], $0xffff  }
0x7d: {  	v3 =	vld.idx.msk [tilespmem:v3+s9+$0x0], $0xffff;
	[tilespmem:s1+$0x300] =	vst v8  }
0x7e: {  	[tilespmem:s12+$0x300] =	vst v9;
	v1 =	vld.idx.msk [tilespmem:v1+s9+$0x0], $0xffff  }
0x7f: {  	[tilespmem:s19+$0x380] =	vst v7;
	v4 =	vld.idx.msk [tilespmem:v5+s9+$0x0], $0xffff  }
0x80: {  	[tilespmem:s20+$0x380] =	vst v2  }
0x81: {  	[tilespmem:s21+$0x380] =	vst v0  }
0x82: {  	[tilespmem:s22+$0x380] =	vst v3  }
0x83: {  	[tilespmem:s1+$0x380] =	vst v1  }
0x84: {  	s0 =	simm.s32 $0x0;
	s18 =	simm.s32 $0x4080;
	[tilespmem:s12+$0x380] =	vst v4  }
0x85: {  	[hbm4b:s5+s0] =	stream.linear.scatter [tilespmem:s18], [sflag:$0x3], $0x1000, $0x38;
	[tilespmem:$0x6080] =	vst v63  }
0x86: {  	_ =	swait.ge [sflag:s13], $0x1F40  }
0x87: {  	[sflag:s13] =	ssyncset.done $0x0  }
0x88: {  	s19 =	simm.s32 $0x10;
	[sflag:s13] =	ssyncadd.s32 $0xFFFFE0C0  }
0x89: {  	v6 =	vld [tilespmem:s19+$0x0];
	_ =	sdelay $0x4  }
0x8a: {  	v0 =	vadd.s32 $0x1F40, v6;
	_ =	sdelay $0x4  }
0x8b: {  	v0 =	vld.idx.msk [tilespmem:v0+s9+$0x0], $0xffff  }
0x8c: {  	v1 =	vadd.s32 $0x2328, v6  }
0x8d: {  	s10 =	sand.u32 $0xC00, s0  }
0x8e: {  	s26 =	sand.u32 $0x70, s19;
	s0 =	sor.u32 $0x5080, s10;
	v3 =	vld [tilespmem:s19+$0xFFFFFFF0]  }
0x8f: {  	s21 =	simm.s32 $0x30;
	s20 =	sor.u32 s26, s0  }
0x90: {  	[tilespmem:s20+$0x0] =	vst v0;
	v0 =	vld [tilespmem:s21+$0x0]  }
0x91: {  	v1 =	vld.idx.msk [tilespmem:v1+s9+$0x0], $0xffff  }
0x92: {  	v2 =	vadd.s32 $0x2710, v6  }
0x93: {  	v5 =	vadd.s32 $0x1F40, v3  }
0x94: {  	s3 =	sor.u32 $0x5100, s10;
	v4 =	vld [tilespmem:s21+$0xFFFFFFF0]  }
0x95: {  	s4 =	sor.u32 s26, s3  }
0x96: {  	v7 =	vadd.s32 $0x1F40, v0;
	[tilespmem:s4+$0x0] =	vst v1  }
0x97: {  	v1 =	vld.idx.msk [tilespmem:v2+s9+$0x0], $0xffff  }
0x98: {  	v2 =	vld.idx.msk [tilespmem:v5+s9+$0x0], $0xffff;
	v5 =	vadd.s32 $0x2AF8, v6  }
0x99: {  	v9 =	vadd.s32 $0x1F40, v4  }
0x9a: {  	s22 =	simm.s32 $0x0;
	s12 =	sor.u32 $0x5180, s10;
	v8 =	vadd.s32 $0x2328, v3  }
0x9b: {  	s24 =	sand.u32 $0x60, s22;
	s23 =	sor.u32 s26, s12;
	v7 =	vld.idx.msk [tilespmem:v7+s9+$0x0], $0xffff  }
0x9c: {  	s25 =	simm.s32 $0x100;
	s0 =	sor.u32 s24, s0;
	v10 =	vadd.s32 $0x2328, v0;
	[tilespmem:s23+$0x0] =	vst v1  }
0x9d: {  	s18 =	sand.u32 $0xC00, s25;
	[tilespmem:s0+$0x0] =	vst v2;
	v2 =	vld.idx.msk [tilespmem:v5+s9+$0x0], $0xffff  }
0x9e: {  	s19 =	sand.u32 $0x70, s21;
	v11 =	vadd.s32 $0x2EE0, v6;
	v9 =	vld.idx.msk [tilespmem:v9+s9+$0x0], $0xffff;
	s4 =	sor.u32 $0x5080, s18  }
0x9f: {  	s6 =	simm.s32 $0x50;
	s1 =	sor.u32 s19, s4;
	v8 =	vld.idx.msk [tilespmem:v8+s9+$0x0], $0xffff  }
0xa0: {  	v12 =	vadd.s32 $0x2710, v3;
	v1 =	vld [tilespmem:s6+$0x0];
	[tilespmem:s1+$0x0] =	vst v7;
	s1 =	sor.u32 $0x5200, s10  }
0xa1: {  	v7 =	vld.idx.msk [tilespmem:v10+s9+$0x0], $0xffff;
	s14 =	sor.u32 s26, s1;
	v10 =	vadd.s32 $0x2328, v4  }
0xa2: {  	s7 =	simm.s32 $0x20;
	[tilespmem:s14+$0x0] =	vst v2;
	v2 =	vadd.s32 $0x2710, v0  }
0xa3: {  	s3 =	sor.u32 s24, s3;
	s20 =	sand.u32 $0x60, s7;
	v11 =	vld.idx.msk [tilespmem:v11+s9+$0x0], $0xffff  }
0xa4: {  	s8 =	sor.u32 $0x5100, s18;
	s0 =	sor.u32 s20, s4;
	v5 =	vld [tilespmem:s6+$0xFFFFFFF0];
	[tilespmem:s3+$0x0] =	vst v8;
	v8 =	vadd.s32 $0x32C8, v6  }
0xa5: {  	s21 =	sor.u32 s19, s8;
	[tilespmem:s0+$0x0] =	vst v9;
	v13 =	vadd.s32 $0x1F40, v1;
	v12 =	vld.idx.msk [tilespmem:v12+s9+$0x0], $0xffff  }
0xa6: {  	v14 =	vadd.s32 $0x2AF8, v3;
	s0 =	sor.u32 $0x5280, s10;
	v9 =	vld.idx.msk [tilespmem:v10+s9+$0x0], $0xffff;
	[tilespmem:s21+$0x0] =	vst v7  }
0xa7: {  	s30 =	simm.s32 $0x70;
	s22 =	sor.u32 s26, s0;
	v10 =	vadd.s32 $0x2710, v4;
	v2 =	vld.idx.msk [tilespmem:v2+s9+$0x0], $0xffff  }
0xa8: {  	v25 =	vld [tilespmem:s30+$0xFFFFFFF0];
	[tilespmem:s22+$0x0] =	vst v11;
	v11 =	vadd.s32 $0x2AF8, v0  }
0xa9: {  	s12 =	sor.u32 s24, s12;
	v7 =	vadd.s32 $0x1F40, v5;
	v8 =	vld.idx.msk [tilespmem:v8+s9+$0x0], $0xffff  }
0xaa: {  	s3 =	sor.u32 s20, s8;
	[tilespmem:s12+$0x0] =	vst v12;
	v12 =	vld.idx.msk [tilespmem:v13+s9+$0x0], $0xffff;
	v13 =	vadd.s32 $0x36B0, v6;
	s12 =	sor.u32 $0x5180, s18  }
0xab: {  	s23 =	simm.s32 $0x200;
	v14 =	vld.idx.msk [tilespmem:v14+s9+$0x0], $0xffff;
	s25 =	sor.u32 s19, s12;
	[tilespmem:s3+$0x0] =	vst v9  }
0xac: {  	v15 =	vadd.s32 $0x2328, v1;
	s14 =	sor.u32 $0x5300, s10;
	s21 =	sand.u32 $0xC00, s23;
	v9 =	vld.idx.msk [tilespmem:v10+s9+$0x0], $0xffff;
	[tilespmem:s25+$0x0] =	vst v2  }
0xad: {  	s22 =	sand.u32 $0x70, s6;
	s6 =	sor.u32 s26, s14;
	s3 =	sor.u32 $0x5080, s21;
	v10 =	vadd.s32 $0x2EE0, v3;
	v11 =	vld.idx.msk [tilespmem:v11+s9+$0x0], $0xffff  }
0xae: {  	v7 =	vld.idx.msk [tilespmem:v7+s9+$0x0], $0xffff;
	s23 =	sor.u32 s22, s3;
	[tilespmem:s6+$0x0] =	vst v8;
	v8 =	vadd.s32 $0x2EE0, v0  }
0xaf: {  	[tilespmem:s23+$0x0] =	vst v12;
	v12 =	vld.idx.msk [tilespmem:v13+s9+$0x0], $0xffff;
	v13 =	vadd.s32 $0x2328, v5  }
0xb0: {  	v16 =	vadd.s32 $0x2AF8, v4;
	s7 =	simm.s32 $0x40;
	s1 =	sor.u32 s24, s1;
	s25 =	sor.u32 $0x5200, s18;
	v2 =	vld [tilespmem:s30+$0x0]  }
0xb1: {  	v6 =	vadd.s32 $0x3A98, v6;
	s23 =	sand.u32 $0x60, s7;
	s8 =	sor.u32 s19, s25;
	v15 =	vld.idx.msk [tilespmem:v15+s9+$0x0], $0xffff;
	[tilespmem:s1+$0x0] =	vst v14  }
0xb2: {  	s3 =	sor.u32 s23, s3;
	v14 =	vadd.s32 $0x2710, v1;
	v10 =	vld.idx.msk [tilespmem:v10+s9+$0x0], $0xffff;
	[tilespmem:s8+$0x0] =	vst v11  }
0xb3: {  	s4 =	sor.u32 s20, s12;
	[tilespmem:s3+$0x0] =	vst v7;
	s3 =	sor.u32 $0x5380, s10;
	v11 =	vadd.s32 $0x32C8, v3;
	v7 =	vld.idx.msk [tilespmem:v8+s9+$0x0], $0xffff  }
0xb4: {  	[tilespmem:s4+$0x0] =	vst v9;
	s4 =	sor.u32 $0x5100, s21;
	s6 =	sor.u32 s26, s3;
	v9 =	vadd.s32 $0x32C8, v0;
	v8 =	vld.idx.msk [tilespmem:v13+s9+$0x0], $0xffff  }
0xb5: {  	s7 =	sor.u32 s22, s4;
	v13 =	vld.idx.msk [tilespmem:v16+s9+$0x0], $0xffff;
	[tilespmem:s6+$0x0] =	vst v12;
	v12 =	vadd.s32 $0x1F40, v2  }
0xb6: {  	s0 =	sor.u32 s24, s0;
	s8 =	sor.u32 $0x5280, s18;
	[tilespmem:s7+$0x0] =	vst v15;
	v26 =	vld.idx.msk [tilespmem:v6+s9+$0x0], $0xffff;
	v6 =	vadd.s32 $0x1F40, v25  }
0xb7: {  	s1 =	sor.u32 s19, s8;
	[tilespmem:s0+$0x0] =	vst v10;
	v10 =	vld.idx.msk [tilespmem:v14+s9+$0x0], $0xffff  }
0xb8: {  	v15 =	vadd.s32 $0x2710, v5;
	v14 =	vld.idx.msk [tilespmem:v11+s9+$0x0], $0xffff;
	[tilespmem:s1+$0x0] =	vst v7  }
0xb9: {  	v16 =	vadd.s32 $0x2EE0, v4;
	v17 =	vld.idx.msk [tilespmem:v9+s9+$0x0], $0xffff  }
0xba: {  	s14 =	sor.u32 s24, s14;
	s6 =	sor.u32 s23, s4;
	s4 =	sor.u32 $0x5180, s21;
	v11 =	vadd.s32 $0x2AF8, v1;
	v24 =	vld.idx.msk [tilespmem:v12+s9+$0x0], $0xffff  }
0xbb: {  	s25 =	sor.u32 s20, s25;
	s29 =	sor.u32 s24, s3;
	s7 =	sor.u32 s22, s4;
	[tilespmem:s6+$0x0] =	vst v8;
	v22 =	vld.idx.msk [tilespmem:v6+s9+$0x0], $0xffff;
	v6 =	vadd.s32 $0x36B0, v0  }
0xbc: {  	v19 =	vadd.s32 $0x36B0, v3;
	s0 =	sor.u32 s20, s8;
	s8 =	sadd.s32 $0x5400, s10;
	s10 =	simm.s32 $0x300;
	[tilespmem:s25+$0x0] =	vst v13  }
0xbd: {  	v18 =	vadd.s32 $0x2328, v25;
	s3 =	sor.u32 $0x5300, s18;
	v27 =	vadd.s32 $0x2328, v2;
	v3 =	vadd.s32 $0x3A98, v3;
	s28 =	sand.u32 $0xC00, s10;
	s25 =	sor.u32 s24, s8;
	v20 =	vld.idx.msk [tilespmem:v15+s9+$0x0], $0xffff;
	[tilespmem:s7+$0x0] =	vst v10  }
0xbe: {  	v7 =	vadd.s32 $0x36B0, v4;
	v9 =	vadd.s32 $0x32C8, v4;
	s6 =	sor.u32 $0x5080, s28;
	s24 =	sand.u32 $0x70, s30;
	v12 =	vadd.s32 $0x32C8, v25;
	v21 =	vld.idx.msk [tilespmem:v16+s9+$0x0], $0xffff;
	s7 =	sor.u32 s19, s3;
	[tilespmem:s14+$0x0] =	vst v14  }
0xbf: {  	v16 =	vadd.s32 $0x2710, v25;
	v10 =	vadd.s32 $0x36B0, v25;
	v23 =	vld.idx.msk [tilespmem:v11+s9+$0x0], $0xffff;
	v14 =	vadd.s32 $0x2EE0, v25;
	[tilespmem:s7+$0x0] =	vst v17;
	s7 =	sor.u32 s24, s6  }
0xc0: {  	s31 =	sor.u32 s20, s3;
	s12 =	sor.u32 s26, s8;
	s8 =	simm.s32 $0x60;
	v17 =	vadd.s32 $0x2AF8, v25;
	[tilespmem:s7+$0x0] =	vst v24;
	v24 =	vld.idx.msk [tilespmem:v6+s9+$0x0], $0xffff;
	v6 =	vadd.s32 $0x3A98, v25;
	v25 =	vadd.s32 $0x2EE0, v1  }
0xc1: {  	s1 =	simm.s32 $0x6;
	v4 =	vadd.s32 $0x3A98, v4;
	v13 =	vadd.s32 $0x2EE0, v5;
	v8 =	vadd.s32 $0x36B0, v5;
	s26 =	sand.u32 $0x60, s8;
	[tilespmem:s12+$0x0] =	vst v26;
	s12 =	simm.s32 $0x90;
	v19 =	vld.idx.msk [tilespmem:v19+s9+$0x0], $0xffff  }
0xc2: {  	v15 =	vadd.s32 $0x2AF8, v5;
	s3 =	sor.u32 s26, s6;
	v11 =	vadd.s32 $0x32C8, v5;
	v5 =	vadd.s32 $0x3A98, v5;
	s14 =	sor.u32 s23, s4;
	s4 =	sor.u32 $0x5200, s21;
	v26 =	vld.idx.msk [tilespmem:v27+s9+$0x0], $0xffff  }
.LBB2_4:
0xc3: {  	s1 =	sadd.s32 $0x2, s1;
	[tilespmem:s3+$0x0] =	vst v22;
	s3 =	sor.u32 s23, s4;
	s4 =	sor.u32 s22, s4;
	v22 =	vadd.s32 $0x3A98, v0;
	v0 =	vmov v1;
	v1 =	vmov v2;
	v2 =	vld [tilespmem:s12+$0x0]  }
0xc4: {  	v27 =	vld [tilespmem:s12+$0xFFFFFFF0];
	p0 =	slt.u32 s1, $0x1E;
	v28 =	vadd.s32 $0x2710, v1;
	[tilespmem:s4+$0x0] =	vst v23  }
0xc5: {  	s4 =	sor.u32 $0x5380, s18;
	[tilespmem:s14+$0x0] =	vst v20;
	v20 =	vld.idx.msk [tilespmem:v25+s9+$0x0], $0xffff  }
0xc6: {  	s6 =	sor.u32 $0x5100, s28;
	v23 =	vld.idx.msk [tilespmem:v18+s9+$0x0], $0xffff;
	[tilespmem:s0+$0x0] =	vst v21;
	s0 =	sor.u32 s20, s4;
	s4 =	sor.u32 s19, s4  }
0xc7: {  	s7 =	sor.u32 s26, s6;
	s6 =	sor.u32 s24, s6;
	v25 =	vadd.s32 $0x32C8, v0;
	v21 =	vld.idx.msk [tilespmem:v15+s9+$0x0], $0xffff;
	[tilespmem:s4+$0x0] =	vst v24;
	v15 =	vmov v17  }
0xc8: {  	v24 =	vadd.s32 $0x1F40, v2;
	[tilespmem:s6+$0x0] =	vst v26;
	v26 =	vld.idx.msk [tilespmem:v22+s9+$0x0], $0xffff  }
0xc9: {  	s4 =	sor.u32 $0x5280, s21;
	v22 =	vadd.s32 $0x1F40, v27;
	v18 =	vadd.s32 $0x2328, v27;
	v29 =	vadd.s32 $0x2710, v27;
	v28 =	vld.idx.msk [tilespmem:v28+s9+$0x0], $0xffff;
	[tilespmem:s29+$0x0] =	vst v19;
	s29 =	smov.u32 s0  }
0xca: {  	v17 =	vadd.s32 $0x2AF8, v27;
	v19 =	vadd.s32 $0x2EE0, v27;
	s0 =	sor.u32 s23, s4;
	s4 =	sor.u32 s22, s4;
	v30 =	vld.idx.msk [tilespmem:v9+s9+$0x0], $0xffff;
	v9 =	vmovc v11;
	v11 =	vmovc v12;
	v12 =	vadd.s32 $0x32C8, v27  }
0xcb: {  	s10 =	sadd.s32 $0x100, s10;
	v32 =	vadd.s32 $0x2AF8, v1;
	v31 =	vadd.s32 $0x36B0, v27;
	v27 =	vadd.s32 $0x3A98, v27;
	[tilespmem:s4+$0x0] =	vst v20;
	v33 =	vld.idx.msk [tilespmem:v3+s9+$0x0], $0xffff;
	v3 =	vmovc v4;
	v4 =	vmovc v5  }
0xcc: {  	s4 =	sadd.s32 $0x5400, s18;
	v5 =	vmov v6;
	v6 =	vmov v27;
	s18 =	smov.u32 s21;
	s21 =	smov.u32 s28;
	[tilespmem:s7+$0x0] =	vst v23;
	v34 =	vld.idx.msk [tilespmem:v25+s9+$0x0], $0xffff  }
0xcd: {  	s6 =	sor.u32 $0x5180, s21;
	v24 =	vld.idx.msk [tilespmem:v24+s9+$0x0], $0xffff;
	[tilespmem:s3+$0x0] =	vst v21;
	s3 =	sor.u32 s20, s4;
	s4 =	sor.u32 s19, s4  }
0xce: {  	v27 =	vadd.s32 $0x36B0, v0;
	s14 =	sor.u32 s26, s6;
	s6 =	sor.u32 s24, s6;
	s19 =	smov.u32 s22;
	v22 =	vld.idx.msk [tilespmem:v22+s9+$0x0], $0xffff;
	[tilespmem:s4+$0x0] =	vst v26  }
0xcf: {  	s30 =	sadd.s32 $0x20, s30;
	s22 =	smov.u32 s24;
	s20 =	smov.u32 s23;
	v26 =	vadd.s32 $0x2328, v2;
	v20 =	vld.idx.msk [tilespmem:v16+s9+$0x0], $0xffff;
	[tilespmem:s6+$0x0] =	vst v28;
	v16 =	vmov v29  }
.Ltmp1:
0xd0: {  	s28 =	sand.u32 $0xC00, s10;
	s4 =	sor.u32 $0x5300, s18;
	v23 =	vld.idx.msk [tilespmem:v32+s9+$0x0], $0xffff;
	[tilespmem:s31+$0x0] =	vst v30;
	(pc) =	sbr.rel @p0 .LBB2_4-.Ltmp1, $4  }
0xd1: {  	s24 =	sand.u32 $0x70, s30;
	s6 =	sor.u32 $0x5080, s28;
	s7 =	sor.u32 s19, s4;
	v21 =	vld.idx.msk [tilespmem:v13+s9+$0x0], $0xffff;
	[tilespmem:s25+$0x0] =	vst v33;
	v13 =	vmov v14;
	v14 =	vmov v19  }
0xd2: {  	s8 =	sadd.s32 $0xFFFFFFF0, s30;
	v25 =	vadd.s32 $0x2EE0, v1;
	s23 =	sor.u32 s24, s6;
	s31 =	sor.u32 s20, s4;
	[tilespmem:s7+$0x0] =	vst v34;
	v19 =	vld.idx.msk [tilespmem:v7+s9+$0x0], $0xffff;
	v7 =	vmovc v8;
	v8 =	vmov v10;
	v10 =	vmov v31  }
0xd3: {  	s25 =	smov.u32 s3;
	[tilespmem:s23+$0x0] =	vst v24;
	v24 =	vld.idx.msk [tilespmem:v27+s9+$0x0], $0xffff;
	s23 =	smov.u32 s26;
	s26 =	sand.u32 $0x60, s8  }
0xd4: {  	s12 =	sadd.s32 $0x20, s12;
	s4 =	sor.u32 $0x5200, s21;
	s3 =	sor.u32 s26, s6;
	v26 =	vld.idx.msk [tilespmem:v26+s9+$0x0], $0xffff  }
0xd5: {  	_ =	sdelay $0x2  }
0xd6: {  	[tilespmem:s3+$0x0] =	vst v22  }
0xd7: {  	v47 =	vadd.s32 $0x2710, v2;
	v18 =	vld.idx.msk [tilespmem:v18+s9+$0x0], $0xffff;
	_ =	sdelay $0x1  }
0xd8: {  	s1 =	sor.u32 $0x5100, s28  }
0xd9: {  	s7 =	sor.u32 s24, s1  }
0xda: {  	s1 =	sor.u32 s26, s1;
	[tilespmem:s7+$0x0] =	vst v26  }
0xdb: {  	v22 =	vld.idx.msk [tilespmem:v47+s9+$0x0], $0xffff;
	[tilespmem:s1+$0x0] =	vst v18  }
0xdc: {  	v48 =	vadd.s32 $0x2AF8, v2;
	v16 =	vld.idx.msk [tilespmem:v16+s9+$0x0], $0xffff;
	_ =	sdelay $0x1  }
0xdd: {  	s8 =	sor.u32 $0x5180, s28  }
0xde: {  	[tilespmem:s14+$0x0] =	vst v20;
	s10 =	sor.u32 s24, s8  }
0xdf: {  	v15 =	vld.idx.msk [tilespmem:v15+s9+$0x0], $0xffff;
	s1 =	sor.u32 s26, s8;
	[tilespmem:s10+$0x0] =	vst v22  }
0xe0: {  	v49 =	vld.idx.msk [tilespmem:v48+s9+$0x0], $0xffff;
	[tilespmem:s1+$0x0] =	vst v16  }
0xe1: {  	v50 =	vadd.s32 $0x2EE0, v2;
	v16 =	vld.idx.msk [tilespmem:v17+s9+$0x0], $0xffff  }
0xe2: {  	s12 =	sor.u32 s22, s4  }
0xe3: {  	s14 =	sor.u32 $0x5200, s28;
	s6 =	sor.u32 s23, s4;
	[tilespmem:s12+$0x0] =	vst v23  }
0xe4: {  	s30 =	sor.u32 s24, s14;
	v51 =	vld.idx.msk [tilespmem:v25+s9+$0x0], $0xffff;
	[tilespmem:s6+$0x0] =	vst v15  }
0xe5: {  	v52 =	vadd.s32 $0x32C8, v1;
	v13 =	vld.idx.msk [tilespmem:v13+s9+$0x0], $0xffff;
	s1 =	sor.u32 s26, s14;
	[tilespmem:s30+$0x0] =	vst v49  }
0xe6: {  	v53 =	vld.idx.msk [tilespmem:v50+s9+$0x0], $0xffff;
	[tilespmem:s1+$0x0] =	vst v16  }
0xe7: {  	v54 =	vadd.s32 $0x32C8, v2;
	[tilespmem:s0+$0x0] =	vst v21;
	s7 =	sor.u32 $0x5280, s21;
	v14 =	vld.idx.msk [tilespmem:v14+s9+$0x0], $0xffff  }
0xe8: {  	v9 =	vld.idx.msk [tilespmem:v9+s9+$0x0], $0xffff;
	[tilespmem:s29+$0x0] =	vst v19;
	s8 =	sor.u32 s22, s7  }
0xe9: {  	s12 =	sor.u32 $0x5280, s28;
	v3 =	vld.idx.msk [tilespmem:v3+s9+$0x0], $0xffff;
	s3 =	sor.u32 s23, s7;
	[tilespmem:s8+$0x0] =	vst v51  }
0xea: {  	v55 =	vld.idx.msk [tilespmem:v52+s9+$0x0], $0xffff;
	s14 =	sor.u32 s24, s12;
	[tilespmem:s3+$0x0] =	vst v13  }
0xeb: {  	v56 =	vadd.s32 $0x36B0, v1;
	s0 =	sor.u32 s26, s12;
	v11 =	vld.idx.msk [tilespmem:v11+s9+$0x0], $0xffff;
	[tilespmem:s14+$0x0] =	vst v53  }
0xec: {  	v57 =	vld.idx.msk [tilespmem:v54+s9+$0x0], $0xffff;
	[tilespmem:s0+$0x0] =	vst v14  }
0xed: {  	v58 =	vadd.s32 $0x36B0, v2;
	[tilespmem:s31+$0x0] =	vst v9;
	s30 =	sor.u32 $0x5300, s21;
	v12 =	vld.idx.msk [tilespmem:v12+s9+$0x0], $0xffff  }
0xee: {  	[tilespmem:s25+$0x0] =	vst v3;
	s4 =	sor.u32 s22, s30  }
0xef: {  	v0 =	vadd.s32 $0x3A98, v0;
	s6 =	sor.u32 $0x5300, s28;
	v7 =	vld.idx.msk [tilespmem:v7+s9+$0x0], $0xffff;
	s3 =	sor.u32 s23, s30;
	[tilespmem:s4+$0x0] =	vst v55  }
0xf0: {  	s7 =	sor.u32 s24, s6;
	[tilespmem:s3+$0x0] =	vst v11;
	v59 =	vld.idx.msk [tilespmem:v56+s9+$0x0], $0xffff  }
0xf1: {  	v60 =	vadd.s32 $0x3A98, v1;
	s1 =	sor.u32 $0x5380, s18;
	v8 =	vld.idx.msk [tilespmem:v8+s9+$0x0], $0xffff;
	s0 =	sor.u32 s26, s6;
	[tilespmem:s7+$0x0] =	vst v57  }
0xf2: {  	s10 =	sor.u32 s19, s1;
	v61 =	vld.idx.msk [tilespmem:v58+s9+$0x0], $0xffff;
	[tilespmem:s0+$0x0] =	vst v12  }
0xf3: {  	v62 =	vadd.s32 $0x3A98, v2;
	s1 =	sor.u32 s20, s1;
	[tilespmem:s10+$0x0] =	vst v24;
	s6 =	sor.u32 $0x5380, s21;
	v63 =	vld.idx.msk [tilespmem:v10+s9+$0x0], $0xffff  }
0xf4: {  	s8 =	sadd.s32 $0x5400, s18;
	[tilespmem:s1+$0x0] =	vst v7;
	v0 =	vld.idx.msk [tilespmem:v0+s9+$0x0], $0xffff;
	s12 =	sor.u32 s22, s6  }
0xf5: {  	s10 =	sor.u32 s19, s8;
	v4 =	vld.idx.msk [tilespmem:v4+s9+$0x0], $0xffff;
	s14 =	sor.u32 $0x5380, s28;
	s19 =	sor.u32 s23, s6;
	[tilespmem:s12+$0x0] =	vst v59  }
0xf6: {  	s18 =	sor.u32 s24, s14;
	[tilespmem:s19+$0x0] =	vst v8;
	v1 =	vld.idx.msk [tilespmem:v60+s9+$0x0], $0xffff  }
0xf7: {  	v5 =	vld.idx.msk [tilespmem:v5+s9+$0x0], $0xffff;
	s0 =	sor.u32 s26, s14;
	[tilespmem:s18+$0x0] =	vst v61  }
0xf8: {  	v2 =	vld.idx.msk [tilespmem:v62+s9+$0x0], $0xffff;
	[tilespmem:s0+$0x0] =	vst v63  }
0xf9: {  	s25 =	sor.u32 s20, s8;
	s21 =	sadd.s32 $0x5400, s21;
	[tilespmem:s10+$0x0] =	vst v0;
	v0 =	vld.idx.msk [tilespmem:v6+s9+$0x0], $0xffff  }
0xfa: {  	s22 =	sor.u32 s22, s21;
	[tilespmem:s25+$0x0] =	vst v4  }
0xfb: {  	s28 =	sadd.s32 $0x5400, s28;
	s1 =	sor.u32 s23, s21;
	[tilespmem:s22+$0x0] =	vst v1  }
0xfc: {  	s29 =	sor.u32 s24, s28;
	[tilespmem:s1+$0x0] =	vst v5  }
0xfd: {  	s0 =	sor.u32 s26, s28;
	[tilespmem:s29+$0x0] =	vst v2  }
0xfe: {  	[tilespmem:s0+$0x0] =	vst v0  }
0xff: {  	s30 =	simm.s32 $0x5080;
	s0 =	rddreg [dreg:$0x7]  }
0x100: {  	[hbm4b:s0+s2] =	stream.linear.scatter [tilespmem:s30], [sflag:$0x4], $0x1000, $0x38;
	[tilespmem:$0x6080] =	vst v63  }
0x101: {  	_ =	swait.ge [sflag:s15], $0x1000  }
0x102: {  	[sflag:s15] =	ssyncset.done $0x0  }
0x103: {  	[sflag:s15] =	ssyncadd.s32 $0xFFFFF000  }
0x104: {  	_ =	swait.ge [sflag:s16], $0x1000  }
0x105: {  	s17 =	sadd.s32 $0x1, s17;
	s31 =	rddreg [dreg:$0x8]  }
0x106: {  	p0 =	sne.s32 s17, s31  }
.Ltmp2:
0x107: {  	_ = 	snop;
	(pc) =	sbr.rel @p0 .LBB2_1-.Ltmp2, $3  }
0x108: {  	_ =	sdelay $0x1  }
0x109: {  	[sflag:s16] =	ssyncset.done $0x0  }
0x10a: {  	[sflag:s16] =	ssyncadd.s32 $0xFFFFF000  }
0x10b: {  	_ =	sfence.sel $0x180000  }
0x10c: {  	[bflag:$0x0] =	sbarrier.arrive $0xFFFF  }
0x10d: {  	_ =	strace $0x90000047  }
0x10e: {  	s0 =	stileid.u32;
	[bflag:$0x2] =	sbarrier.arrive $0xFFFF  }
0x10f: {  	p0 =	sne.s32 s0, $0x0;
	s0 =	rddreg [dreg:$0x3]  }
0x110: {  	s0 =	sadd.s32 @!p0 $0x100000, s0  }
0x111: {  	[sflag:s0] =	ssyncadd.tile.s32 @!p0 $0x1;
	_ =	shalt  }
.Lfunc_end2:
_tile_overlayer_lowered:
.L_overlay_start_2:
0x112: {  	(tag) =	ssettag $0x2  }
0x113: {  	s0 =	rddreg [dreg:$0x0];
	s2 =	stileid.u32  }
0x114: {  	s1 =	rddreg [dreg:$0x1];
	p0 =	sne.s32 s2, $0x0  }
0x115: {  	s3 =	rddreg [dreg:$0x2];
	[bflag:$0x3] =	sbarrier.arrive $0xFFFF;
	s2 =	simm.s32 @!p0 $0x1C04  }
0x116: {  	[timem:s3], [sflag:s2] =	dma.local @!p0 [hbm:s0], s1  }
0x117: {  	s0 =	simm.s32 @!p0 $0x4  }
0x118: {  	_ =	swait.ge @!p0 [sflag:s0], s1  }
0x119: {  	s1 =	ssub.s32 @!p0 $0x0, s1;
	[sflag:s0] =	ssyncset.done @!p0 $0x0  }
0x11a: {  	[sflag:s0] =	ssyncadd.s32 @!p0 s1  }
0x11b: {  	[bflag:$0x3] =	sbarrier.arrive $0xFFFF  }
0x11c: {  	_ =	shalt  }

</sc_bundles>
